<compile_context>
chip_gen: v7x
topology: tpu7x:2x2x1
jax: 0.10.2.dev20260603
libtpu: 0.0.44.dev20260713+nightly
codegen_flags: <defaults>
</compile_context>

<pallas_src>
import dataclasses
import functools

import jax
import jax.numpy as jnp
from jax import lax
from jax.experimental import pallas as pl
from jax.experimental.pallas import tpu as pltpu
from jax.experimental.pallas import tpu_sc as plsc

D = 128
NR = 6
NS = 7
NB = 8
E = 320000
T = 640000

_RA = 4000
_RC = 4000
_RE = 4000


def _swish(v):
    return v * jax.nn.sigmoid(v)


def _pre_body(x_ref, rbf_ref, wkj_ref, bkj_ref, wrbf_ref, out_ref):
    x = x_ref[...]
    xk = _swish(jnp.dot(x.astype(jnp.bfloat16),
                        wkj_ref[...].astype(jnp.bfloat16),
                        preferred_element_type=jnp.float32)
                + bkj_ref[...])
    rh = jnp.zeros((x.shape[0], D), jnp.float32)
    for r in range(NR):
        rh = rh + rbf_ref[:, r:r + 1] * wrbf_ref[r:r + 1, :]
    out_ref[...] = xk * rh


def _pre(x, rbf, W_kj, b_kj, W_rbf):
    grid = (E // _RA,)
    return pl.pallas_call(
        _pre_body,
        grid=grid,
        in_specs=[
            pl.BlockSpec((_RA, D), lambda i: (i, 0)),
            pl.BlockSpec((_RA, NR), lambda i: (i, 0)),
            pl.BlockSpec((D, D), lambda i: (0, 0)),
            pl.BlockSpec((1, D), lambda i: (0, 0)),
            pl.BlockSpec((NR, D), lambda i: (0, 0)),
        ],
        out_specs=pl.BlockSpec((_RA, D), lambda i: (i, 0)),
        out_shape=jax.ShapeDtypeStruct((E, D), jnp.float32),
    )(x, rbf, W_kj, b_kj.reshape(1, D), W_rbf)


_RBW = 128
_NBT = T // _RBW
_NB0 = 160
_NB1 = 152
_NBREM = _NBT - 16 * (_NB0 + _NB1)


def _gather_body(table, ji, out, idxall, rows, gsem0, gsem1, wsem0, wsem1):
    c = lax.axis_index("c")
    s = lax.axis_index("s")
    gsems = (gsem0, gsem1)
    wsems = (wsem0, wsem1)

    def run(nb, batch0):
        base = batch0 * _RBW
        pltpu.sync_copy(ji.at[pl.ds(base, nb * _RBW)],
                        idxall.at[pl.ds(0, nb * _RBW)])

        def g_pair(g, b):
            return (table.at[idxall.at[pl.ds(g * _RBW, _RBW)]], rows.at[b],
                    gsems[b])

        def w_pair(g, b):
            return (rows.at[b], out.at[pl.ds(base + g * _RBW, _RBW)],
                    wsems[b])

        pltpu.async_copy(*g_pair(0, 0))

        @pl.loop(0, nb, step=2)
        def _loop(g0):
            for bb in range(2):
                g = g0 + bb
                pltpu.make_async_copy(*g_pair(g, bb)).wait()
                pltpu.async_copy(*w_pair(g, bb))

                @pl.when(g < nb - 1)
                def _more():
                    @pl.when(g >= 1)
                    def _wback():
                        pltpu.make_async_copy(*w_pair(g - 1, 1 - bb)).wait()
                    pltpu.async_copy(*g_pair(g + 1, 1 - bb))

        pltpu.make_async_copy(*w_pair(nb - 1, 1)).wait()

    @pl.when(c == 0)
    def _c0():
        run(_NB0, s * _NB0)

        @pl.when(s == 0)
        def _rem():
            run(_NBREM, 16 * (_NB0 + _NB1))

    @pl.when(c == 1)
    def _c1():
        run(_NB1, 16 * _NB0 + s * _NB1)


def _gather(table, idx_padded):
    mesh = plsc.VectorSubcoreMesh(core_axis_name="c", subcore_axis_name="s")
    k = functools.partial(
        pl.kernel,
        out_type=jax.ShapeDtypeStruct((T, D), jnp.float32),
        mesh=mesh,
        scratch_types=[
            pltpu.VMEM((_NB0 * _RBW,), jnp.int32),
            pltpu.VMEM((2, _RBW, D), jnp.float32),
            pltpu.SemaphoreType.DMA,
            pltpu.SemaphoreType.DMA,
            pltpu.SemaphoreType.DMA,
            pltpu.SemaphoreType.DMA,
        ],
    )(_gather_body)
    return k(table, idx_padded)


def _msg_body(g_ref, sbf_ref, wsbf_ref, w2_ref, out_ref):
    sh = jnp.dot(sbf_ref[...], wsbf_ref[...], preferred_element_type=jnp.float32)
    q = jnp.dot(g_ref[...].astype(jnp.bfloat16), w2_ref[...].astype(jnp.bfloat16),
                preferred_element_type=jnp.float32)
    acc = jnp.zeros((g_ref.shape[0], D), jnp.float32)
    for i in range(NB):
        acc = acc + sh[:, i:i + 1] * q[:, i * D:(i + 1) * D]
    out_ref[...] = acc


def _msg(gathered, sbf, W_sbf, W2):
    grid = (T // _RC,)
    return pl.pallas_call(
        _msg_body,
        grid=grid,
        in_specs=[
            pl.BlockSpec((_RC, D), lambda i: (i, 0)),
            pl.BlockSpec((_RC, NS * NR), lambda i: (i, 0)),
            pl.BlockSpec((NS * NR, NB), lambda i: (0, 0)),
            pl.BlockSpec((D, NB * D), lambda i: (0, 0)),
        ],
        out_specs=pl.BlockSpec((_RC, D), lambda i: (i, 0)),
        out_shape=jax.ShapeDtypeStruct((T, D), jnp.float32),
    )(gathered, sbf, W_sbf, W2)


_CH = 10240
_NCH = 16
_BASE1 = E - _NCH * _CH
_RB = 128
_SPR = _CH + _RB
_TRASH = _CH
_ZR = _SPR // 16
_SLICE = T // 16
_IT = 4000
_NIT = _SLICE // _IT
_LR = 512
_RROWS = (_LR * 16) // _RB


def _scatter_body(msg_hbm, ji_hbm, zero_hbm, agg_hbm,
                  itile, tbuf, dbuf, rows, spmem, sem0):
    c = lax.axis_index("c")
    s = lax.axis_index("s")
    half_lo = c * _BASE1
    lane = lax.iota(jnp.int32, 16)
    trash = jnp.full((16,), _TRASH, jnp.int32)
    zero16 = jnp.zeros((16,), jnp.int32)
    def drain(carry):
        dr, rrow = carry
        pltpu.async_copy(msg_hbm.at[tbuf.at[rrow]], rows, sem0).wait()
        pltpu.sync_copy(rows, spmem.at[dbuf.at[rrow]], add=True)
        rrow = rrow + 1
        rrow = jnp.where(rrow == _RROWS, 0, rrow)
        return dr + _RB, rrow

    def drain_all(dr, rrow, avail):
        return lax.while_loop(lambda v: avail - v[0] >= _RB, drain,
                              (dr, rrow))

    @pl.loop(0, _NCH)
    def _chunk(k):
        lo = half_lo + k * _CH

        pltpu.sync_copy(zero_hbm, spmem.at[pl.ds(s * _ZR, _ZR)])
        plsc.subcore_barrier()

        def tile_step(j, carry):
            cnt, dr, rrow = carry
            tbase = s * _SLICE + j * _IT
            pltpu.sync_copy(ji_hbm.at[pl.ds(tbase, _IT)], itile)

            def vec_step(i, cntv):
                off = i * 32
                da = itile[pl.ds(off, 16)]
                db = itile[pl.ds(off + 16, 16)]
                ma = (da >= lo) & (da < lo + _CH)
                mb = (db >= lo) & (db < lo + _CH)
                onea = ma.astype(jnp.int32)
                oneb = mb.astype(jnp.int32)
                csa = plsc.cumsum(onea)
                csb = plsc.cumsum(oneb)
                pca = plsc.all_reduce_population_count(ma)
                pcb = plsc.all_reduce_population_count(mb)
                posa = cntv + csa - onea
                posb = cntv + pca + csb - oneb
                plsc.store_scatter(tbuf, [(posa >> 7) & (_RROWS - 1),
                                          posa & 127],
                                   tbase + off + lane, mask=ma)
                plsc.store_scatter(dbuf, [(posa >> 7) & (_RROWS - 1),
                                          posa & 127], da - lo, mask=ma)
                plsc.store_scatter(tbuf, [(posb >> 7) & (_RROWS - 1),
                                          posb & 127],
                                   tbase + off + 16 + lane, mask=mb)
                plsc.store_scatter(dbuf, [(posb >> 7) & (_RROWS - 1),
                                          posb & 127], db - lo, mask=mb)
                return cntv + pca + pcb

            cntv = jnp.full((16,), cnt, jnp.int32)
            cntv = lax.fori_loop(0, _IT // 32, vec_step, cntv)
            cnt = lax.reduce_max(cntv, axes=(0,))
            dr, rrow = drain_all(dr, rrow, cnt)
            return cnt, dr, rrow

        cnt, dr, rrow = lax.fori_loop(
            0, _NIT, tile_step, (jnp.int32(0), jnp.int32(0), jnp.int32(0)))

        pad_n = (_RB - (cnt & (_RB - 1))) & (_RB - 1)

        def pad_step(jj, _):
            pos = cnt + jj * 16 + lane
            m = (jj * 16 + lane) < pad_n
            prow = (pos >> 7) & (_RROWS - 1)
            plsc.store_scatter(tbuf, [prow, pos & 127], zero16, mask=m)
            plsc.store_scatter(dbuf, [prow, pos & 127], trash, mask=m)
            return 0

        lax.fori_loop(0, _RB // 16, pad_step, 0)
        cnt = cnt + pad_n
        drain_all(dr, rrow, cnt)

        plsc.subcore_barrier()
        pltpu.sync_copy(spmem.at[pl.ds(s * (_CH // 16), _CH // 16)],
                        agg_hbm.at[pl.ds(lo + s * (_CH // 16), _CH // 16)])
        plsc.subcore_barrier()


def _sc_compiler_params():
    cp = pltpu.CompilerParams()
    if "needs_layout_passes" in pltpu.CompilerParams.__dataclass_fields__:
        cp = dataclasses.replace(cp, needs_layout_passes=False)
    return cp


def _scatter_add(msg, ji, zeros):
    mesh = plsc.VectorSubcoreMesh(core_axis_name="c", subcore_axis_name="s")
    k = functools.partial(
        pl.kernel,
        out_type=jax.ShapeDtypeStruct((E, D), jnp.float32),
        mesh=mesh,
        compiler_params=_sc_compiler_params(),
        scratch_types=[
            pltpu.VMEM((_IT,), jnp.int32),
            pltpu.VMEM((_RROWS, _RB), jnp.int32),
            pltpu.VMEM((_RROWS, _RB), jnp.int32),
            pltpu.VMEM((_RB, D), jnp.float32),
            pltpu.VMEM_SHARED((_SPR, D), jnp.float32),
            pltpu.SemaphoreType.DMA,
        ],
    )(_scatter_body)
    return k(msg, ji, zeros)


def _post_body(x_ref, agg_ref, wji_ref, bji_ref,
               w1a_ref, b1a_ref, w1b_ref, b1b_ref,
               wd_ref, bd_ref,
               w2a_ref, b2a_ref, w2b_ref, b2b_ref,
               w3a_ref, b3a_ref, w3b_ref, b3b_ref,
               out_ref):
    x = x_ref[...]

    def mm(v, w_ref, b_ref):
        return jnp.dot(v.astype(jnp.bfloat16), w_ref[...].astype(jnp.bfloat16),
                       preferred_element_type=jnp.float32) + b_ref[...]

    def resid(h, wa, ba, wb, bb):
        u = _swish(mm(h, wa, ba))
        u = _swish(mm(u, wb, bb))
        return h + u

    h = _swish(mm(x, wji_ref, bji_ref)) + agg_ref[...]
    h = resid(h, w1a_ref, b1a_ref, w1b_ref, b1b_ref)
    h = _swish(mm(h, wd_ref, bd_ref)) + x
    h = resid(h, w2a_ref, b2a_ref, w2b_ref, b2b_ref)
    h = resid(h, w3a_ref, b3a_ref, w3b_ref, b3b_ref)
    out_ref[...] = h


def _post(x, agg, weights):
    grid = (E // _RE,)
    row = pl.BlockSpec((_RE, D), lambda i: (i, 0))
    wspec = pl.BlockSpec((D, D), lambda i: (0, 0))
    bspec = pl.BlockSpec((1, D), lambda i: (0, 0))
    in_specs = [row, row]
    args = [x, agg]
    for (w, b) in weights:
        in_specs += [wspec, bspec]
        args += [w, b.reshape(1, D)]
    return pl.pallas_call(
        _post_body,
        grid=grid,
        in_specs=in_specs,
        out_specs=row,
        out_shape=jax.ShapeDtypeStruct((E, D), jnp.float32),
    )(*args)


def kernel(x, rbf, sbf, edge_idx_kj, edge_idx_ji, W_rbf, W_sbf, W_kj, b_kj,
           W_ji, b_ji, W_bil, W_r1a, b_r1a, W_r1b, b_r1b, W_d, b_d,
           W_r2a, b_r2a, W_r2b, b_r2b, W_r3a, b_r3a, W_r3b, b_r3b):
    x_kj = _pre(x, rbf, W_kj, b_kj, W_rbf)
    gathered = _gather(x_kj, edge_idx_kj)
    W2 = jnp.transpose(W_bil, (2, 1, 0)).reshape(D, NB * D)
    msg = _msg(gathered, sbf, W_sbf, W2)
    agg = _scatter_add(msg, edge_idx_ji, jnp.zeros((_ZR, D), jnp.float32))
    weights = [(W_ji, b_ji), (W_r1a, b_r1a), (W_r1b, b_r1b), (W_d, b_d),
               (W_r2a, b_r2a), (W_r2b, b_r2b), (W_r3a, b_r3a), (W_r3b, b_r3b)]
    return _post(x, agg, weights)

# --- scband reference (transcript-rebuilt; emitter-appended) ---
"""Pipeline reference for scband-dim-net-interaction-48490180772447 (READ-ONLY COPY).

The authoritative reference and input builder live on the scoring server;
editing this copy changes nothing except your own understanding.
"""

import jax, jax.numpy as jnp
import numpy as np

D = 128
NR = 6
NS = 7
NB = 8
E = 320000
T = 640000

def swish(v):
    return v * jax.nn.sigmoid(v)

def _glorot(k, shape, scale=2.0):
    fan = shape[0] + shape[-1]
    return jax.random.normal(k, shape, dtype=jnp.float32) * (scale / fan) ** 0.5

def setup_inputs(seed: int = 0):
    key = jax.random.key(seed)
    ks = jax.random.split(key, 32)
    inp = {}
    inp['x'] = jax.random.normal(ks[0], (E, D), dtype=jnp.float32)
    inp['rbf'] = jax.random.uniform(ks[1], (E, NR), dtype=jnp.float32)
    inp['sbf'] = jax.random.uniform(ks[2], (T, NS * NR), dtype=jnp.float32)
    inp['edge_idx_kj'] = jax.random.randint(ks[3], (T,), 0, E, dtype=jnp.int32)
    inp['edge_idx_ji'] = jax.random.randint(ks[4], (T,), 0, E, dtype=jnp.int32)
    inp['W_rbf'] = _glorot(ks[5], (NR, D))
    inp['W_sbf'] = _glorot(ks[6], (NS * NR, NB))
    inp['W_kj'] = _glorot(ks[7], (D, D)); inp['b_kj'] = jnp.zeros((D,), jnp.float32)
    inp['W_ji'] = _glorot(ks[8], (D, D)); inp['b_ji'] = jnp.zeros((D,), jnp.float32)
    inp['W_bil'] = jax.random.normal(ks[9], (D, NB, D), dtype=jnp.float32) * (2.0 / D)
    inp['W_r1a'] = _glorot(ks[10], (D, D)); inp['b_r1a'] = jnp.zeros((D,), jnp.float32)
    inp['W_r1b'] = _glorot(ks[11], (D, D)); inp['b_r1b'] = jnp.zeros((D,), jnp.float32)
    inp['W_d'] = _glorot(ks[12], (D, D)); inp['b_d'] = jnp.zeros((D,), jnp.float32)
    inp['W_r2a'] = _glorot(ks[13], (D, D)); inp['b_r2a'] = jnp.zeros((D,), jnp.float32)
    inp['W_r2b'] = _glorot(ks[14], (D, D)); inp['b_r2b'] = jnp.zeros((D,), jnp.float32)
    inp['W_r3a'] = _glorot(ks[15], (D, D)); inp['b_r3a'] = jnp.zeros((D,), jnp.float32)
    inp['W_r3b'] = _glorot(ks[16], (D, D)); inp['b_r3b'] = jnp.zeros((D,), jnp.float32)
    return inp

def _residual(h, Wa, ba, Wb, bb):
    u = swish(h @ Wa + ba)
    u = swish(u @ Wb + bb)
    return h + u

def reference(x, rbf, sbf, edge_idx_kj, edge_idx_ji, W_rbf, W_sbf, W_kj, b_kj, W_ji, b_ji, W_bil, W_r1a, b_r1a, W_r1b, b_r1b, W_d, b_d, W_r2a, b_r2a, W_r2b, b_r2b, W_r3a, b_r3a, W_r3b, b_r3b):
    rbf_h = rbf @ W_rbf
    sbf_h = sbf @ W_sbf
    x_ji = swish(x @ W_ji + b_ji)
    x_kj = swish(x @ W_kj + b_kj)
    x_kj = x_kj * rbf_h
    gathered = jnp.take(x_kj, edge_idx_kj, axis=0)
    msg = jnp.einsum('ti,oij,tj->to', sbf_h, W_bil, gathered)
    agg = jnp.zeros((x.shape[0], x.shape[1]), x.dtype).at[edge_idx_ji].add(msg)
    h = x_ji + agg
    h = _residual(h, W_r1a, b_r1a, W_r1b, b_r1b)
    h = swish(h @ W_d + b_d)
    h = h + x
    h = _residual(h, W_r2a, b_r2a, W_r2b, b_r2b)
    h = _residual(h, W_r3a, b_r3a, W_r3b, b_r3b)
    return h

if __name__ == "__main__":
    import jax
    _d = setup_inputs()
    print(jax.jit(kernel)(*tuple(_d.values())))

</pallas_src>

<mosaic_0001>
#map = affine_map<(d0, d1) -> (0, 0)>
#map1 = affine_map<(d0, d1) -> (0)>
module attributes {stable_mosaic.version = 14 : i64} {
  func.func @_scatter_body(%arg0: i32, %arg1: i32, %arg2: memref<640000x128xf32, #tpu.memory_space<hbm>>, %arg3: memref<640000xi32, #tpu.memory_space<hbm>>, %arg4: memref<648x128xf32, #tpu.memory_space<hbm>>, %arg5: memref<320000x128xf32, #tpu.memory_space<hbm>>, %arg6: memref<4000xi32, #tpu.memory_space<vmem>>, %arg7: memref<64x128xi32, #tpu.memory_space<vmem>>, %arg8: memref<64x128xi32, #tpu.memory_space<vmem>>, %arg9: memref<128x128xf32, #tpu.memory_space<vmem>>, %arg10: memref<10368x128xf32, #tpu.memory_space<vmem_shared>>, %arg11: memref<!tpu.dma_semaphore, #tpu.memory_space<semaphore_mem>>) attributes {dimension_semantics = [#tpu.dimension_semantics<core_parallel>, #tpu.dimension_semantics<subcore_parallel>], iteration_bounds = array<i64: 2, 16>, scalar_prefetch = 0 : i64, scratch_operands = 6 : i64, tpu.core_type = #tpu.core_type<sc_vector_subcore>, window_params = [{transform_indices = #map}, {transform_indices = #map1}, {transform_indices = #map}, {transform_indices = #map}]} {
    %mul3A = arith.constant 156160 : i32
    %mul3A_0 = arith.muli %arg0, %mul3A : i32
    %iota3A = tpu.iota {dimensions = array<i32: 0>} : vector<16xi32>
    %broadcast_in_dim3A = arith.constant 10240 : i32
    %broadcast_in_dim3A_1 = vector.broadcast %broadcast_in_dim3A : i32 to vector<16xi32>
    %broadcast_in_dim3A_2 = arith.constant 0 : i32
    %broadcast_in_dim3A_3 = vector.broadcast %broadcast_in_dim3A_2 : i32 to vector<16xi32>
    %scan3A = arith.constant 0 : i32
    %scan3A_4 = arith.constant 16 : i32
    %scan3A_5 = arith.addi %scan3A, %scan3A_4 : i32
    %scan3A_6 = arith.constant 1 : i32
    scf.for %scan3A_8 = %scan3A to %scan3A_5 step %scan3A_6  : i32 {
      %mul3A_9 = arith.constant 1 : i32
      %mul3A_10 = arith.muli %scan3A_8, %mul3A_9 : i32
      %add3A = arith.constant 0 : i32
      %add3A_11 = arith.addi %add3A, %mul3A_10 : i32
      %mul3A_12 = arith.constant 10240 : i32
      %mul3A_13 = arith.muli %add3A_11, %mul3A_12 : i32
      %add3A_14 = arith.addi %mul3A_0, %mul3A_13 : i32
      %mul3A_15 = arith.constant 648 : i32
      %mul3A_16 = arith.muli %arg1, %mul3A_15 : i32
      "tpu.region"() ({
        %run_scoped3A = tpu.sem_alloc : memref<!tpu.dma_semaphore, #tpu.memory_space<semaphore_mem>>
        %dma_start3A = arith.constant 0 : i32
        %dma_start3A_45 = tpu.memref_slice %arg10[%mul3A_16, %dma_start3A] : memref<10368x128xf32, #tpu.memory_space<vmem_shared>> -> memref<648x128xf32, #tpu.memory_space<vmem_shared>>
        tpu.enqueue_dma source(%arg4 : memref<648x128xf32, #tpu.memory_space<hbm>>) target(%dma_start3A_45 : memref<648x128xf32, #tpu.memory_space<vmem_shared>>) target_semaphore(%run_scoped3A : memref<!tpu.dma_semaphore, #tpu.memory_space<semaphore_mem>>)
        %dma_wait3A = arith.constant 0 : i32
        %dma_wait3A_46 = tpu.memref_slice %arg10[%mul3A_16, %dma_wait3A] : memref<10368x128xf32, #tpu.memory_space<vmem_shared>> -> memref<648x128xf32, #tpu.memory_space<vmem_shared>>
        tpu.wait_dma2 semaphore(%run_scoped3A : memref<!tpu.dma_semaphore, #tpu.memory_space<semaphore_mem>>) src(%arg4 : memref<648x128xf32, #tpu.memory_space<hbm>>) dst(%dma_wait3A_46 : memref<648x128xf32, #tpu.memory_space<vmem_shared>>)
        tpu.yield
      }) : () -> ()
      %barrier3A = arith.constant 0 : index
      tpu.barrier barrier_id(%barrier3A)
      %scan3A_17 = arith.constant 0 : i32
      %scan3A_18 = arith.constant 0 : i32
      %scan3A_19 = arith.constant 0 : i32
      %scan3A_20 = arith.constant 0 : i32
      %scan3A_21 = arith.constant 10 : i32
      %scan3A_22 = arith.addi %scan3A_20, %scan3A_21 : i32
      %scan3A_23 = arith.constant 1 : i32
      %scan3A_24:3 = scf.for %scan3A_45 = %scan3A_20 to %scan3A_22 step %scan3A_23 iter_args(%scan3A_46 = %scan3A_17, %scan3A_47 = %scan3A_18, %scan3A_48 = %scan3A_19) -> (i32, i32, i32)  : i32 {
        %mul3A_49 = arith.constant 40000 : i32
        %mul3A_50 = arith.muli %arg1, %mul3A_49 : i32
        %mul3A_51 = arith.constant 4000 : i32
        %mul3A_52 = arith.muli %scan3A_45, %mul3A_51 : i32
        %add3A_53 = arith.addi %mul3A_50, %mul3A_52 : i32
        "tpu.region"() ({
          %run_scoped3A = tpu.sem_alloc : memref<!tpu.dma_semaphore, #tpu.memory_space<semaphore_mem>>
          %dma_start3A = tpu.memref_slice %arg3[%add3A_53] : memref<640000xi32, #tpu.memory_space<hbm>> -> memref<4000xi32, #tpu.memory_space<hbm>>
          %dma_start3A_69 = tpu.memref_slice %arg3[%add3A_53] : memref<640000xi32, #tpu.memory_space<hbm>> -> memref<4000xi32, #tpu.memory_space<hbm>>
          tpu.enqueue_dma source(%dma_start3A_69 : memref<4000xi32, #tpu.memory_space<hbm>>) target(%arg6 : memref<4000xi32, #tpu.memory_space<vmem>>) target_semaphore(%run_scoped3A : memref<!tpu.dma_semaphore, #tpu.memory_space<semaphore_mem>>)
          %dma_wait3A = tpu.memref_slice %arg3[%add3A_53] : memref<640000xi32, #tpu.memory_space<hbm>> -> memref<4000xi32, #tpu.memory_space<hbm>>
          %dma_wait3A_70 = tpu.memref_slice %arg3[%add3A_53] : memref<640000xi32, #tpu.memory_space<hbm>> -> memref<4000xi32, #tpu.memory_space<hbm>>
          tpu.wait_dma2 semaphore(%run_scoped3A : memref<!tpu.dma_semaphore, #tpu.memory_space<semaphore_mem>>) src(%dma_wait3A_70 : memref<4000xi32, #tpu.memory_space<hbm>>) dst(%arg6 : memref<4000xi32, #tpu.memory_space<vmem>>)
          tpu.yield
        }) : () -> ()
        %broadcast_in_dim3A_54 = vector.broadcast %scan3A_46 : i32 to vector<16xi32>
        %scan3A_55 = arith.constant 0 : i32
        %scan3A_56 = arith.constant 125 : i32
        %scan3A_57 = arith.addi %scan3A_55, %scan3A_56 : i32
        %scan3A_58 = arith.constant 1 : i32
        %scan3A_59 = scf.for %scan3A_69 = %scan3A_55 to %scan3A_57 step %scan3A_58 iter_args(%scan3A_70 = %broadcast_in_dim3A_54) -> (vector<16xi32>)  : i32 {
          %mul3A_71 = arith.constant 32 : i32
          %mul3A_72 = arith.muli %scan3A_69, %mul3A_71 : i32
          %get3A = arith.index_cast %mul3A_72 : i32 to index
          %get3A_73 = tpu.vector_load %arg6[%get3A] {strides = array<i32>} : memref<4000xi32, #tpu.memory_space<vmem>>, vector<16xi32>,
          %add3A_74 = arith.constant 16 : i32
          %add3A_75 = arith.addi %mul3A_72, %add3A_74 : i32
          %get3A_76 = arith.index_cast %add3A_75 : i32 to index
          %get3A_77 = tpu.vector_load %arg6[%get3A_76] {strides = array<i32>} : memref<4000xi32, #tpu.memory_space<vmem>>, vector<16xi32>,
          %ge3A = vector.broadcast %add3A_14 : i32 to vector<16xi32>
          %ge3A_78 = arith.cmpi sge, %get3A_73, %ge3A : vector<16xi32>
          %add3A_79 = arith.constant 10240 : i32
          %add3A_80 = arith.addi %add3A_14, %add3A_79 : i32
          %lt3A = vector.broadcast %add3A_80 : i32 to vector<16xi32>
          %lt3A_81 = arith.cmpi slt, %get3A_73, %lt3A : vector<16xi32>
          %and3A_82 = arith.andi %ge3A_78, %lt3A_81 : vector<16xi1>
          %ge3A_83 = vector.broadcast %add3A_14 : i32 to vector<16xi32>
          %ge3A_84 = arith.cmpi sge, %get3A_77, %ge3A_83 : vector<16xi32>
          %add3A_85 = arith.constant 10240 : i32
          %add3A_86 = arith.addi %add3A_14, %add3A_85 : i32
          %lt3A_87 = vector.broadcast %add3A_86 : i32 to vector<16xi32>
          %lt3A_88 = arith.cmpi slt, %get3A_77, %lt3A_87 : vector<16xi32>
          %and3A_89 = arith.andi %ge3A_84, %lt3A_88 : vector<16xi1>
          %convert_element_type3A = arith.extui %and3A_82 : vector<16xi1> to vector<16xi32>
          %convert_element_type3A_90 = arith.extui %and3A_89 : vector<16xi1> to vector<16xi32>
          %broadcast_in_dim3A_91 = arith.constant true
          %broadcast_in_dim3A_92 = vector.broadcast %broadcast_in_dim3A_91 : i1 to vector<16xi1>
          %masked_cumsum3A = tpu.scan <sum>, %convert_element_type3A masked %broadcast_in_dim3A_92 : vector<16xi32>, vector<16xi1> -> vector<16xi32>
          %broadcast_in_dim3A_93 = arith.constant true
          %broadcast_in_dim3A_94 = vector.broadcast %broadcast_in_dim3A_93 : i1 to vector<16xi1>
          %masked_cumsum3A_95 = tpu.scan <sum>, %convert_element_type3A_90 masked %broadcast_in_dim3A_94 : vector<16xi32>, vector<16xi1> -> vector<16xi32>
          %all_reduce_population_count3A = tpu.all_reduce %and3A_82 {dim = 0 : i64, kind = #tpu.reduction_kind<sum>} : vector<16xi1> -> vector<16xi32>
          %all_reduce_population_count3A_96 = tpu.all_reduce %and3A_89 {dim = 0 : i64, kind = #tpu.reduction_kind<sum>} : vector<16xi1> -> vector<16xi32>
          %add3A_97 = arith.addi %scan3A_70, %masked_cumsum3A : vector<16xi32>
          %sub3A_98 = arith.subi %add3A_97, %convert_element_type3A : vector<16xi32>
          %add3A_99 = arith.addi %scan3A_70, %all_reduce_population_count3A : vector<16xi32>
          %add3A_100 = arith.addi %add3A_99, %masked_cumsum3A_95 : vector<16xi32>
          %sub3A_101 = arith.subi %add3A_100, %convert_element_type3A_90 : vector<16xi32>
          %shift_right_arithmetic3A = arith.constant 7 : i32
          %shift_right_arithmetic3A_102 = vector.broadcast %shift_right_arithmetic3A : i32 to vector<16xi32>
          %shift_right_arithmetic3A_103 = arith.shrsi %sub3A_98, %shift_right_arithmetic3A_102 : vector<16xi32>
          %and3A_104 = arith.constant 63 : i32
          %and3A_105 = vector.broadcast %and3A_104 : i32 to vector<16xi32>
          %and3A_106 = arith.andi %shift_right_arithmetic3A_103, %and3A_105 : vector<16xi32>
          %and3A_107 = arith.constant 127 : i32
          %and3A_108 = vector.broadcast %and3A_107 : i32 to vector<16xi32>
          %and3A_109 = arith.andi %sub3A_98, %and3A_108 : vector<16xi32>
          %add3A_110 = arith.addi %add3A_53, %mul3A_72 : i32
          %add3A_111 = vector.broadcast %add3A_110 : i32 to vector<16xi32>
          %add3A_112 = arith.addi %add3A_111, %iota3A : vector<16xi32>
          tpu.vector_store_idx %arg7[%and3A_106, %and3A_109], %add3A_112 masked %and3A_82 : memref<64x128xi32, #tpu.memory_space<vmem>>[vector<16xi32>, vector<16xi32>], vector<16xi32>, vector<16xi1>
          %shift_right_arithmetic3A_113 = arith.constant 7 : i32
          %shift_right_arithmetic3A_114 = vector.broadcast %shift_right_arithmetic3A_113 : i32 to vector<16xi32>
          %shift_right_arithmetic3A_115 = arith.shrsi %sub3A_98, %shift_right_arithmetic3A_114 : vector<16xi32>
          %and3A_116 = arith.constant 63 : i32
          %and3A_117 = vector.broadcast %and3A_116 : i32 to vector<16xi32>
          %and3A_118 = arith.andi %shift_right_arithmetic3A_115, %and3A_117 : vector<16xi32>
          %and3A_119 = arith.constant 127 : i32
          %and3A_120 = vector.broadcast %and3A_119 : i32 to vector<16xi32>
          %and3A_121 = arith.andi %sub3A_98, %and3A_120 : vector<16xi32>
          %sub3A_122 = vector.broadcast %add3A_14 : i32 to vector<16xi32>
          %sub3A_123 = arith.subi %get3A_73, %sub3A_122 : vector<16xi32>
          tpu.vector_store_idx %arg8[%and3A_118, %and3A_121], %sub3A_123 masked %and3A_82 : memref<64x128xi32, #tpu.memory_space<vmem>>[vector<16xi32>, vector<16xi32>], vector<16xi32>, vector<16xi1>
          %shift_right_arithmetic3A_124 = arith.constant 7 : i32
          %shift_right_arithmetic3A_125 = vector.broadcast %shift_right_arithmetic3A_124 : i32 to vector<16xi32>
          %shift_right_arithmetic3A_126 = arith.shrsi %sub3A_101, %shift_right_arithmetic3A_125 : vector<16xi32>
          %and3A_127 = arith.constant 63 : i32
          %and3A_128 = vector.broadcast %and3A_127 : i32 to vector<16xi32>
          %and3A_129 = arith.andi %shift_right_arithmetic3A_126, %and3A_128 : vector<16xi32>
          %and3A_130 = arith.constant 127 : i32
          %and3A_131 = vector.broadcast %and3A_130 : i32 to vector<16xi32>
          %and3A_132 = arith.andi %sub3A_101, %and3A_131 : vector<16xi32>
          %add3A_133 = arith.addi %add3A_53, %mul3A_72 : i32
          %add3A_134 = arith.constant 16 : i32
          %add3A_135 = arith.addi %add3A_133, %add3A_134 : i32
          %add3A_136 = vector.broadcast %add3A_135 : i32 to vector<16xi32>
          %add3A_137 = arith.addi %add3A_136, %iota3A : vector<16xi32>
          tpu.vector_store_idx %arg7[%and3A_129, %and3A_132], %add3A_137 masked %and3A_89 : memref<64x128xi32, #tpu.memory_space<vmem>>[vector<16xi32>, vector<16xi32>], vector<16xi32>, vector<16xi1>
          %shift_right_arithmetic3A_138 = arith.constant 7 : i32
          %shift_right_arithmetic3A_139 = vector.broadcast %shift_right_arithmetic3A_138 : i32 to vector<16xi32>
          %shift_right_arithmetic3A_140 = arith.shrsi %sub3A_101, %shift_right_arithmetic3A_139 : vector<16xi32>
          %and3A_141 = arith.constant 63 : i32
          %and3A_142 = vector.broadcast %and3A_141 : i32 to vector<16xi32>
          %and3A_143 = arith.andi %shift_right_arithmetic3A_140, %and3A_142 : vector<16xi32>
          %and3A_144 = arith.constant 127 : i32
          %and3A_145 = vector.broadcast %and3A_144 : i32 to vector<16xi32>
          %and3A_146 = arith.andi %sub3A_101, %and3A_145 : vector<16xi32>
          %sub3A_147 = vector.broadcast %add3A_14 : i32 to vector<16xi32>
          %sub3A_148 = arith.subi %get3A_77, %sub3A_147 : vector<16xi32>
          tpu.vector_store_idx %arg8[%and3A_143, %and3A_146], %sub3A_148 masked %and3A_89 : memref<64x128xi32, #tpu.memory_space<vmem>>[vector<16xi32>, vector<16xi32>], vector<16xi32>, vector<16xi1>
          %add3A_149 = arith.addi %scan3A_70, %all_reduce_population_count3A : vector<16xi32>
          %add3A_150 = arith.addi %add3A_149, %all_reduce_population_count3A_96 : vector<16xi32>
          scf.yield %add3A_150 : vector<16xi32>
        }
        %scan3A_60 = arith.constant 125 : i32
        %reduce_max3A = arith.constant true
        %reduce_max3A_61 = vector.broadcast %reduce_max3A : i1 to vector<16xi1>
        %reduce_max3A_62 = arith.constant -2147483648 : i32
        %reduce_max3A_63 = vector.broadcast %reduce_max3A_62 : i32 to vector<16xi32>
        %reduce_max3A_64 = arith.xori %scan3A_59, %reduce_max3A_63 : vector<16xi32>
        %reduce_max3A_65 = tpu.scan <max>, %reduce_max3A_64 masked %reduce_max3A_61 : vector<16xi32>, vector<16xi1> -> vector<16xi32>
        %reduce_max3A_66 = arith.xori %reduce_max3A_65, %reduce_max3A_63 : vector<16xi32>
        %reduce_max3A_67 = vector.extract %reduce_max3A_66[15] : i32 from vector<16xi32>
        %while3A_68:2 = scf.while (%while3A_69 = %scan3A_47, %while3A_70 = %scan3A_48) : (i32, i32) -> (i32, i32) {
          %sub3A_71 = arith.subi %reduce_max3A_67, %while3A_69 : i32
          %ge3A = arith.constant 128 : i32
          %ge3A_72 = arith.cmpi sge, %sub3A_71, %ge3A : i32
          scf.condition(%ge3A_72) %while3A_69, %while3A_70 : i32, i32
        } do {
        ^bb0(%while3A_69: i32, %while3A_70: i32):
          %dma_start3A = arith.constant 0 : i32
          %dma_start3A_71 = tpu.memref_slice %arg7[%while3A_70, %dma_start3A] : memref<64x128xi32, #tpu.memory_space<vmem>> -> memref<1x128xi32, #tpu.memory_space<vmem>>
          %dma_start3A_72 = tpu.memref_squeeze %dma_start3A_71 : memref<1x128xi32, #tpu.memory_space<vmem>> -> memref<128xi32, #tpu.memory_space<vmem>>
          %dma_start3A_73 = arith.constant 0 : i32
          %dma_start3A_74 = arith.constant 0 : i32
          %dma_start3A_75 = tpu.memref_slice %arg2[%dma_start3A_73, %dma_start3A_74] : memref<640000x128xf32, #tpu.memory_space<hbm>> -> memref<640000x128xf32, #tpu.memory_space<hbm>>
          tpu.enqueue_indirect_dma source(%dma_start3A_75 : memref<640000x128xf32, #tpu.memory_space<hbm>>) target(%arg9 : memref<128x128xf32, #tpu.memory_space<vmem>>) offsets(%dma_start3A_72 : memref<128xi32, #tpu.memory_space<vmem>>) semaphore(%arg11 : memref<!tpu.dma_semaphore, #tpu.memory_space<semaphore_mem>>)
          %dma_wait3A = arith.constant 0 : i32
          %dma_wait3A_76 = tpu.memref_slice %arg7[%while3A_70, %dma_wait3A] : memref<64x128xi32, #tpu.memory_space<vmem>> -> memref<1x128xi32, #tpu.memory_space<vmem>>
          %dma_wait3A_77 = tpu.memref_squeeze %dma_wait3A_76 : memref<1x128xi32, #tpu.memory_space<vmem>> -> memref<128xi32, #tpu.memory_space<vmem>>
          %dma_wait3A_78 = arith.constant 0 : i32
          %dma_wait3A_79 = arith.constant 0 : i32
          %dma_wait3A_80 = tpu.memref_slice %arg2[%dma_wait3A_78, %dma_wait3A_79] : memref<640000x128xf32, #tpu.memory_space<hbm>> -> memref<640000x128xf32, #tpu.memory_space<hbm>>
          tpu.wait_indirect_dma semaphore(%arg11 : memref<!tpu.dma_semaphore, #tpu.memory_space<semaphore_mem>>) src(%dma_wait3A_80 : memref<640000x128xf32, #tpu.memory_space<hbm>>) dst(%arg9 : memref<128x128xf32, #tpu.memory_space<vmem>>)
          "tpu.region"() ({
            %run_scoped3A = tpu.sem_alloc : memref<!tpu.dma_semaphore, #tpu.memory_space<semaphore_mem>>
            %dma_start3A_86 = arith.constant 0 : i32
            %dma_start3A_87 = tpu.memref_slice %arg8[%while3A_70, %dma_start3A_86] : memref<64x128xi32, #tpu.memory_space<vmem>> -> memref<1x128xi32, #tpu.memory_space<vmem>>
            %dma_start3A_88 = tpu.memref_squeeze %dma_start3A_87 : memref<1x128xi32, #tpu.memory_space<vmem>> -> memref<128xi32, #tpu.memory_space<vmem>>
            %dma_start3A_89 = arith.constant 0 : i32
            %dma_start3A_90 = arith.constant 0 : i32
            %dma_start3A_91 = tpu.memref_slice %arg10[%dma_start3A_89, %dma_start3A_90] : memref<10368x128xf32, #tpu.memory_space<vmem_shared>> -> memref<10368x128xf32, #tpu.memory_space<vmem_shared>>
            tpu.enqueue_indirect_dma source(%arg9 : memref<128x128xf32, #tpu.memory_space<vmem>>) target(%dma_start3A_91 : memref<10368x128xf32, #tpu.memory_space<vmem_shared>>) offsets(%dma_start3A_88 : memref<128xi32, #tpu.memory_space<vmem>>) semaphore(%run_scoped3A : memref<!tpu.dma_semaphore, #tpu.memory_space<semaphore_mem>>) {add = true}
            %dma_wait3A_92 = arith.constant 0 : i32
            %dma_wait3A_93 = tpu.memref_slice %arg8[%while3A_70, %dma_wait3A_92] : memref<64x128xi32, #tpu.memory_space<vmem>> -> memref<1x128xi32, #tpu.memory_space<vmem>>
            %dma_wait3A_94 = tpu.memref_squeeze %dma_wait3A_93 : memref<1x128xi32, #tpu.memory_space<vmem>> -> memref<128xi32, #tpu.memory_space<vmem>>
            %dma_wait3A_95 = arith.constant 0 : i32
            %dma_wait3A_96 = arith.constant 0 : i32
            %dma_wait3A_97 = tpu.memref_slice %arg10[%dma_wait3A_95, %dma_wait3A_96] : memref<10368x128xf32, #tpu.memory_space<vmem_shared>> -> memref<10368x128xf32, #tpu.memory_space<vmem_shared>>
            tpu.wait_indirect_dma semaphore(%run_scoped3A : memref<!tpu.dma_semaphore, #tpu.memory_space<semaphore_mem>>) src(%arg9 : memref<128x128xf32, #tpu.memory_space<vmem>>) dst(%dma_wait3A_97 : memref<10368x128xf32, #tpu.memory_space<vmem_shared>>)
            tpu.yield
          }) : () -> ()
          %add3A_81 = arith.constant 1 : i32
          %add3A_82 = arith.addi %while3A_70, %add3A_81 : i32
          %eq3A = arith.constant 64 : i32
          %eq3A_83 = arith.cmpi eq, %add3A_82, %eq3A : i32
          %jit3A = arith.constant 0 : i32
          %select_n3A = arith.select %eq3A_83, %jit3A, %add3A_82 : i32
          %add3A_84 = arith.constant 128 : i32
          %add3A_85 = arith.addi %while3A_69, %add3A_84 : i32
          scf.yield %add3A_85, %select_n3A : i32, i32
        }
        scf.yield %reduce_max3A_67, %while3A_68#0, %while3A_68#1 : i32, i32, i32
      }
      %scan3A_25 = arith.constant 10 : i32
      %and3A = arith.constant 127 : i32
      %and3A_26 = arith.andi %scan3A_24#0, %and3A : i32
      %sub3A = arith.constant 128 : i32
      %sub3A_27 = arith.subi %sub3A, %and3A_26 : i32
      %and3A_28 = arith.constant 127 : i32
      %and3A_29 = arith.andi %sub3A_27, %and3A_28 : i32
      %scan3A_30 = arith.constant 0 : i32
      %scan3A_31 = arith.constant 0 : i32
      %scan3A_32 = arith.constant 8 : i32
      %scan3A_33 = arith.addi %scan3A_31, %scan3A_32 : i32
      %scan3A_34 = arith.constant 1 : i32
      %scan3A_35 = scf.for %scan3A_45 = %scan3A_31 to %scan3A_33 step %scan3A_34 iter_args(%scan3A_46 = %scan3A_30) -> (i32)  : i32 {
        %mul3A_47 = arith.constant 16 : i32
        %mul3A_48 = arith.muli %scan3A_45, %mul3A_47 : i32
        %add3A_49 = arith.addi %scan3A_24#0, %mul3A_48 : i32
        %add3A_50 = vector.broadcast %add3A_49 : i32 to vector<16xi32>
        %add3A_51 = arith.addi %add3A_50, %iota3A : vector<16xi32>
        %mul3A_52 = arith.constant 16 : i32
        %mul3A_53 = arith.muli %scan3A_45, %mul3A_52 : i32
        %add3A_54 = vector.broadcast %mul3A_53 : i32 to vector<16xi32>
        %add3A_55 = arith.addi %add3A_54, %iota3A : vector<16xi32>
        %lt3A = vector.broadcast %and3A_29 : i32 to vector<16xi32>
        %lt3A_56 = arith.cmpi slt, %add3A_55, %lt3A : vector<16xi32>
        %shift_right_arithmetic3A = arith.constant 7 : i32
        %shift_right_arithmetic3A_57 = vector.broadcast %shift_right_arithmetic3A : i32 to vector<16xi32>
        %shift_right_arithmetic3A_58 = arith.shrsi %add3A_51, %shift_right_arithmetic3A_57 : vector<16xi32>
        %and3A_59 = arith.constant 63 : i32
        %and3A_60 = vector.broadcast %and3A_59 : i32 to vector<16xi32>
        %and3A_61 = arith.andi %shift_right_arithmetic3A_58, %and3A_60 : vector<16xi32>
        %and3A_62 = arith.constant 127 : i32
        %and3A_63 = vector.broadcast %and3A_62 : i32 to vector<16xi32>
        %and3A_64 = arith.andi %add3A_51, %and3A_63 : vector<16xi32>
        tpu.vector_store_idx %arg7[%and3A_61, %and3A_64], %broadcast_in_dim3A_3 masked %lt3A_56 : memref<64x128xi32, #tpu.memory_space<vmem>>[vector<16xi32>, vector<16xi32>], vector<16xi32>, vector<16xi1>
        %and3A_65 = arith.constant 127 : i32
        %and3A_66 = vector.broadcast %and3A_65 : i32 to vector<16xi32>
        %and3A_67 = arith.andi %add3A_51, %and3A_66 : vector<16xi32>
        tpu.vector_store_idx %arg8[%and3A_61, %and3A_67], %broadcast_in_dim3A_1 masked %lt3A_56 : memref<64x128xi32, #tpu.memory_space<vmem>>[vector<16xi32>, vector<16xi32>], vector<16xi32>, vector<16xi1>
        %scan3A_68 = arith.constant 0 : i32
        scf.yield %scan3A_68 : i32
      }
      %scan3A_36 = arith.constant 8 : i32
      %add3A_37 = arith.addi %scan3A_24#0, %and3A_29 : i32
      %while3A:2 = scf.while (%while3A_45 = %scan3A_24#1, %while3A_46 = %scan3A_24#2) : (i32, i32) -> (i32, i32) {
        %sub3A_47 = arith.subi %add3A_37, %while3A_45 : i32
        %ge3A = arith.constant 128 : i32
        %ge3A_48 = arith.cmpi sge, %sub3A_47, %ge3A : i32
        scf.condition(%ge3A_48) %while3A_45, %while3A_46 : i32, i32
      } do {
      ^bb0(%while3A_45: i32, %while3A_46: i32):
        %dma_start3A = arith.constant 0 : i32
        %dma_start3A_47 = tpu.memref_slice %arg7[%while3A_46, %dma_start3A] : memref<64x128xi32, #tpu.memory_space<vmem>> -> memref<1x128xi32, #tpu.memory_space<vmem>>
        %dma_start3A_48 = tpu.memref_squeeze %dma_start3A_47 : memref<1x128xi32, #tpu.memory_space<vmem>> -> memref<128xi32, #tpu.memory_space<vmem>>
        %dma_start3A_49 = arith.constant 0 : i32
        %dma_start3A_50 = arith.constant 0 : i32
        %dma_start3A_51 = tpu.memref_slice %arg2[%dma_start3A_49, %dma_start3A_50] : memref<640000x128xf32, #tpu.memory_space<hbm>> -> memref<640000x128xf32, #tpu.memory_space<hbm>>
        tpu.enqueue_indirect_dma source(%dma_start3A_51 : memref<640000x128xf32, #tpu.memory_space<hbm>>) target(%arg9 : memref<128x128xf32, #tpu.memory_space<vmem>>) offsets(%dma_start3A_48 : memref<128xi32, #tpu.memory_space<vmem>>) semaphore(%arg11 : memref<!tpu.dma_semaphore, #tpu.memory_space<semaphore_mem>>)
        %dma_wait3A = arith.constant 0 : i32
        %dma_wait3A_52 = tpu.memref_slice %arg7[%while3A_46, %dma_wait3A] : memref<64x128xi32, #tpu.memory_space<vmem>> -> memref<1x128xi32, #tpu.memory_space<vmem>>
        %dma_wait3A_53 = tpu.memref_squeeze %dma_wait3A_52 : memref<1x128xi32, #tpu.memory_space<vmem>> -> memref<128xi32, #tpu.memory_space<vmem>>
        %dma_wait3A_54 = arith.constant 0 : i32
        %dma_wait3A_55 = arith.constant 0 : i32
        %dma_wait3A_56 = tpu.memref_slice %arg2[%dma_wait3A_54, %dma_wait3A_55] : memref<640000x128xf32, #tpu.memory_space<hbm>> -> memref<640000x128xf32, #tpu.memory_space<hbm>>
        tpu.wait_indirect_dma semaphore(%arg11 : memref<!tpu.dma_semaphore, #tpu.memory_space<semaphore_mem>>) src(%dma_wait3A_56 : memref<640000x128xf32, #tpu.memory_space<hbm>>) dst(%arg9 : memref<128x128xf32, #tpu.memory_space<vmem>>)
        "tpu.region"() ({
          %run_scoped3A = tpu.sem_alloc : memref<!tpu.dma_semaphore, #tpu.memory_space<semaphore_mem>>
          %dma_start3A_62 = arith.constant 0 : i32
          %dma_start3A_63 = tpu.memref_slice %arg8[%while3A_46, %dma_start3A_62] : memref<64x128xi32, #tpu.memory_space<vmem>> -> memref<1x128xi32, #tpu.memory_space<vmem>>
          %dma_start3A_64 = tpu.memref_squeeze %dma_start3A_63 : memref<1x128xi32, #tpu.memory_space<vmem>> -> memref<128xi32, #tpu.memory_space<vmem>>
          %dma_start3A_65 = arith.constant 0 : i32
          %dma_start3A_66 = arith.constant 0 : i32
          %dma_start3A_67 = tpu.memref_slice %arg10[%dma_start3A_65, %dma_start3A_66] : memref<10368x128xf32, #tpu.memory_space<vmem_shared>> -> memref<10368x128xf32, #tpu.memory_space<vmem_shared>>
          tpu.enqueue_indirect_dma source(%arg9 : memref<128x128xf32, #tpu.memory_space<vmem>>) target(%dma_start3A_67 : memref<10368x128xf32, #tpu.memory_space<vmem_shared>>) offsets(%dma_start3A_64 : memref<128xi32, #tpu.memory_space<vmem>>) semaphore(%run_scoped3A : memref<!tpu.dma_semaphore, #tpu.memory_space<semaphore_mem>>) {add = true}
          %dma_wait3A_68 = arith.constant 0 : i32
          %dma_wait3A_69 = tpu.memref_slice %arg8[%while3A_46, %dma_wait3A_68] : memref<64x128xi32, #tpu.memory_space<vmem>> -> memref<1x128xi32, #tpu.memory_space<vmem>>
          %dma_wait3A_70 = tpu.memref_squeeze %dma_wait3A_69 : memref<1x128xi32, #tpu.memory_space<vmem>> -> memref<128xi32, #tpu.memory_space<vmem>>
          %dma_wait3A_71 = arith.constant 0 : i32
          %dma_wait3A_72 = arith.constant 0 : i32
          %dma_wait3A_73 = tpu.memref_slice %arg10[%dma_wait3A_71, %dma_wait3A_72] : memref<10368x128xf32, #tpu.memory_space<vmem_shared>> -> memref<10368x128xf32, #tpu.memory_space<vmem_shared>>
          tpu.wait_indirect_dma semaphore(%run_scoped3A : memref<!tpu.dma_semaphore, #tpu.memory_space<semaphore_mem>>) src(%arg9 : memref<128x128xf32, #tpu.memory_space<vmem>>) dst(%dma_wait3A_73 : memref<10368x128xf32, #tpu.memory_space<vmem_shared>>)
          tpu.yield
        }) : () -> ()
        %add3A_57 = arith.constant 1 : i32
        %add3A_58 = arith.addi %while3A_46, %add3A_57 : i32
        %eq3A = arith.constant 64 : i32
        %eq3A_59 = arith.cmpi eq, %add3A_58, %eq3A : i32
        %jit3A = arith.constant 0 : i32
        %select_n3A = arith.select %eq3A_59, %jit3A, %add3A_58 : i32
        %add3A_60 = arith.constant 128 : i32
        %add3A_61 = arith.addi %while3A_45, %add3A_60 : i32
        scf.yield %add3A_61, %select_n3A : i32, i32
      }
      %barrier3A_38 = arith.constant 0 : index
      tpu.barrier barrier_id(%barrier3A_38)
      %mul3A_39 = arith.constant 640 : i32
      %mul3A_40 = arith.muli %arg1, %mul3A_39 : i32
      %mul3A_41 = arith.constant 640 : i32
      %mul3A_42 = arith.muli %arg1, %mul3A_41 : i32
      %add3A_43 = arith.addi %add3A_14, %mul3A_42 : i32
      "tpu.region"() ({
        %run_scoped3A = tpu.sem_alloc : memref<!tpu.dma_semaphore, #tpu.memory_space<semaphore_mem>>
        %dma_start3A = arith.constant 0 : i32
        %dma_start3A_45 = tpu.memref_slice %arg5[%add3A_43, %dma_start3A] : memref<320000x128xf32, #tpu.memory_space<hbm>> -> memref<640x128xf32, #tpu.memory_space<hbm>>
        %dma_start3A_46 = arith.constant 0 : i32
        %dma_start3A_47 = tpu.memref_slice %arg10[%mul3A_40, %dma_start3A_46] : memref<10368x128xf32, #tpu.memory_space<vmem_shared>> -> memref<640x128xf32, #tpu.memory_space<vmem_shared>>
        tpu.enqueue_dma source(%dma_start3A_47 : memref<640x128xf32, #tpu.memory_space<vmem_shared>>) target(%dma_start3A_45 : memref<640x128xf32, #tpu.memory_space<hbm>>) target_semaphore(%run_scoped3A : memref<!tpu.dma_semaphore, #tpu.memory_space<semaphore_mem>>)
        %dma_wait3A = arith.constant 0 : i32
        %dma_wait3A_48 = tpu.memref_slice %arg5[%add3A_43, %dma_wait3A] : memref<320000x128xf32, #tpu.memory_space<hbm>> -> memref<640x128xf32, #tpu.memory_space<hbm>>
        %dma_wait3A_49 = arith.constant 0 : i32
        %dma_wait3A_50 = tpu.memref_slice %arg10[%mul3A_40, %dma_wait3A_49] : memref<10368x128xf32, #tpu.memory_space<vmem_shared>> -> memref<640x128xf32, #tpu.memory_space<vmem_shared>>
        tpu.wait_dma2 semaphore(%run_scoped3A : memref<!tpu.dma_semaphore, #tpu.memory_space<semaphore_mem>>) src(%dma_wait3A_50 : memref<640x128xf32, #tpu.memory_space<vmem_shared>>) dst(%dma_wait3A_48 : memref<640x128xf32, #tpu.memory_space<hbm>>)
        tpu.yield
      }) : () -> ()
      %barrier3A_44 = arith.constant 0 : index
      tpu.barrier barrier_id(%barrier3A_44)
    }
    %scan3A_7 = arith.constant 16 : i32
    return
  }
}

#map = affine_map<(d0, d1) -> (0, 0)>
#map1 = affine_map<(d0, d1) -> (0)>
module attributes {stable_mosaic.version = 14 : i64} {
  func.func @_gather_body(%arg0: i32, %arg1: i32, %arg2: memref<320000x128xf32, #tpu.memory_space<hbm>>, %arg3: memref<640000xi32, #tpu.memory_space<hbm>>, %arg4: memref<640000x128xf32, #tpu.memory_space<hbm>>, %arg5: memref<20480xi32, #tpu.memory_space<vmem>>, %arg6: memref<2x128x128xf32, #tpu.memory_space<vmem>>, %arg7: memref<!tpu.dma_semaphore, #tpu.memory_space<semaphore_mem>>, %arg8: memref<!tpu.dma_semaphore, #tpu.memory_space<semaphore_mem>>, %arg9: memref<!tpu.dma_semaphore, #tpu.memory_space<semaphore_mem>>, %arg10: memref<!tpu.dma_semaphore, #tpu.memory_space<semaphore_mem>>) attributes {dimension_semantics = [#tpu.dimension_semantics<core_parallel>, #tpu.dimension_semantics<subcore_parallel>], iteration_bounds = array<i64: 2, 16>, scalar_prefetch = 0 : i64, scratch_operands = 6 : i64, tpu.core_type = #tpu.core_type<sc_vector_subcore>, window_params = [{transform_indices = #map}, {transform_indices = #map1}, {transform_indices = #map}]} {
    %eq3A = arith.constant 0 : i32
    %eq3A_0 = arith.cmpi eq, %arg0, %eq3A : i32
    %convert_element_type3A = arith.extui %eq3A_0 : i1 to i32
    %cond3A = arith.constant 0 : i32
    %cond3A_1 = arith.cmpi ne, %convert_element_type3A, %cond3A : i32
    scf.if %cond3A_1 {
      %mul3A = arith.constant 160 : i32
      %mul3A_7 = arith.muli %arg1, %mul3A : i32
      %mul3A_8 = arith.constant 128 : i32
      %mul3A_9 = arith.muli %mul3A_7, %mul3A_8 : i32
      "tpu.region"() ({
        %run_scoped3A = tpu.sem_alloc : memref<!tpu.dma_semaphore, #tpu.memory_space<semaphore_mem>>
        %dma_start3A_41 = arith.constant 0 : i32
        %dma_start3A_42 = tpu.memref_slice %arg5[%dma_start3A_41] : memref<20480xi32, #tpu.memory_space<vmem>> -> memref<20480xi32, #tpu.memory_space<vmem>>
        %dma_start3A_43 = tpu.memref_slice %arg3[%mul3A_9] : memref<640000xi32, #tpu.memory_space<hbm>> -> memref<20480xi32, #tpu.memory_space<hbm>>
        %dma_start3A_44 = arith.constant 0 : i32
        %dma_start3A_45 = tpu.memref_slice %arg5[%dma_start3A_44] : memref<20480xi32, #tpu.memory_space<vmem>> -> memref<20480xi32, #tpu.memory_space<vmem>>
        %dma_start3A_46 = tpu.memref_slice %arg3[%mul3A_9] : memref<640000xi32, #tpu.memory_space<hbm>> -> memref<20480xi32, #tpu.memory_space<hbm>>
        tpu.enqueue_dma source(%dma_start3A_46 : memref<20480xi32, #tpu.memory_space<hbm>>) target(%dma_start3A_45 : memref<20480xi32, #tpu.memory_space<vmem>>) target_semaphore(%run_scoped3A : memref<!tpu.dma_semaphore, #tpu.memory_space<semaphore_mem>>)
        %dma_wait3A_47 = arith.constant 0 : i32
        %dma_wait3A_48 = tpu.memref_slice %arg5[%dma_wait3A_47] : memref<20480xi32, #tpu.memory_space<vmem>> -> memref<20480xi32, #tpu.memory_space<vmem>>
        %dma_wait3A_49 = tpu.memref_slice %arg3[%mul3A_9] : memref<640000xi32, #tpu.memory_space<hbm>> -> memref<20480xi32, #tpu.memory_space<hbm>>
        %dma_wait3A_50 = arith.constant 0 : i32
        %dma_wait3A_51 = tpu.memref_slice %arg5[%dma_wait3A_50] : memref<20480xi32, #tpu.memory_space<vmem>> -> memref<20480xi32, #tpu.memory_space<vmem>>
        %dma_wait3A_52 = tpu.memref_slice %arg3[%mul3A_9] : memref<640000xi32, #tpu.memory_space<hbm>> -> memref<20480xi32, #tpu.memory_space<hbm>>
        tpu.wait_dma2 semaphore(%run_scoped3A : memref<!tpu.dma_semaphore, #tpu.memory_space<semaphore_mem>>) src(%dma_wait3A_52 : memref<20480xi32, #tpu.memory_space<hbm>>) dst(%dma_wait3A_51 : memref<20480xi32, #tpu.memory_space<vmem>>)
        tpu.yield
      }) : () -> ()
      %dma_start3A = arith.constant 0 : i32
      %dma_start3A_10 = arith.constant 0 : i32
      %dma_start3A_11 = arith.constant 0 : i32
      %dma_start3A_12 = tpu.memref_slice %arg6[%dma_start3A, %dma_start3A_10, %dma_start3A_11] : memref<2x128x128xf32, #tpu.memory_space<vmem>> -> memref<1x128x128xf32, #tpu.memory_space<vmem>>
      %dma_start3A_13 = tpu.memref_squeeze %dma_start3A_12 : memref<1x128x128xf32, #tpu.memory_space<vmem>> -> memref<128x128xf32, #tpu.memory_space<vmem>>
      %dma_start3A_14 = arith.constant 0 : i32
      %dma_start3A_15 = tpu.memref_slice %arg5[%dma_start3A_14] : memref<20480xi32, #tpu.memory_space<vmem>> -> memref<128xi32, #tpu.memory_space<vmem>>
      %dma_start3A_16 = arith.constant 0 : i32
      %dma_start3A_17 = arith.constant 0 : i32
      %dma_start3A_18 = tpu.memref_slice %arg2[%dma_start3A_16, %dma_start3A_17] : memref<320000x128xf32, #tpu.memory_space<hbm>> -> memref<320000x128xf32, #tpu.memory_space<hbm>>
      tpu.enqueue_indirect_dma source(%dma_start3A_18 : memref<320000x128xf32, #tpu.memory_space<hbm>>) target(%dma_start3A_13 : memref<128x128xf32, #tpu.memory_space<vmem>>) offsets(%dma_start3A_15 : memref<128xi32, #tpu.memory_space<vmem>>) semaphore(%arg7 : memref<!tpu.dma_semaphore, #tpu.memory_space<semaphore_mem>>)
      %scan3A = arith.constant 0 : i32
      %scan3A_19 = arith.constant 80 : i32
      %scan3A_20 = arith.addi %scan3A, %scan3A_19 : i32
      %scan3A_21 = arith.constant 1 : i32
      scf.for %scan3A_41 = %scan3A to %scan3A_20 step %scan3A_21  : i32 {
        %mul3A_42 = arith.constant 2 : i32
        %mul3A_43 = arith.muli %scan3A_41, %mul3A_42 : i32
        %add3A_44 = arith.constant 0 : i32
        %add3A_45 = arith.addi %add3A_44, %mul3A_43 : i32
        %add3A_46 = arith.constant 0 : i32
        %add3A_47 = arith.addi %add3A_45, %add3A_46 : i32
        %mul3A_48 = arith.constant 128 : i32
        %mul3A_49 = arith.muli %add3A_47, %mul3A_48 : i32
        %dma_wait3A_50 = arith.constant 0 : i32
        %dma_wait3A_51 = arith.constant 0 : i32
        %dma_wait3A_52 = arith.constant 0 : i32
        %dma_wait3A_53 = tpu.memref_slice %arg6[%dma_wait3A_50, %dma_wait3A_51, %dma_wait3A_52] : memref<2x128x128xf32, #tpu.memory_space<vmem>> -> memref<1x128x128xf32, #tpu.memory_space<vmem>>
        %dma_wait3A_54 = tpu.memref_squeeze %dma_wait3A_53 : memref<1x128x128xf32, #tpu.memory_space<vmem>> -> memref<128x128xf32, #tpu.memory_space<vmem>>
        %dma_wait3A_55 = tpu.memref_slice %arg5[%mul3A_49] : memref<20480xi32, #tpu.memory_space<vmem>> -> memref<128xi32, #tpu.memory_space<vmem>>
        %dma_wait3A_56 = arith.constant 0 : i32
        %dma_wait3A_57 = arith.constant 0 : i32
        %dma_wait3A_58 = tpu.memref_slice %arg2[%dma_wait3A_56, %dma_wait3A_57] : memref<320000x128xf32, #tpu.memory_space<hbm>> -> memref<320000x128xf32, #tpu.memory_space<hbm>>
        tpu.wait_indirect_dma semaphore(%arg7 : memref<!tpu.dma_semaphore, #tpu.memory_space<semaphore_mem>>) src(%dma_wait3A_58 : memref<320000x128xf32, #tpu.memory_space<hbm>>) dst(%dma_wait3A_54 : memref<128x128xf32, #tpu.memory_space<vmem>>)
        %mul3A_59 = arith.constant 128 : i32
        %mul3A_60 = arith.muli %add3A_47, %mul3A_59 : i32
        %add3A_61 = arith.addi %mul3A_9, %mul3A_60 : i32
        %dma_start3A_62 = arith.constant 0 : i32
        %dma_start3A_63 = arith.constant 0 : i32
        %dma_start3A_64 = arith.constant 0 : i32
        %dma_start3A_65 = tpu.memref_slice %arg6[%dma_start3A_62, %dma_start3A_63, %dma_start3A_64] : memref<2x128x128xf32, #tpu.memory_space<vmem>> -> memref<1x128x128xf32, #tpu.memory_space<vmem>>
        %dma_start3A_66 = tpu.memref_squeeze %dma_start3A_65 : memref<1x128x128xf32, #tpu.memory_space<vmem>> -> memref<128x128xf32, #tpu.memory_space<vmem>>
        %dma_start3A_67 = arith.constant 0 : i32
        %dma_start3A_68 = tpu.memref_slice %arg4[%add3A_61, %dma_start3A_67] : memref<640000x128xf32, #tpu.memory_space<hbm>> -> memref<128x128xf32, #tpu.memory_space<hbm>>
        %dma_start3A_69 = arith.constant 0 : i32
        %dma_start3A_70 = tpu.memref_slice %arg4[%add3A_61, %dma_start3A_69] : memref<640000x128xf32, #tpu.memory_space<hbm>> -> memref<128x128xf32, #tpu.memory_space<hbm>>
        %dma_start3A_71 = arith.constant 0 : i32
        %dma_start3A_72 = arith.constant 0 : i32
        %dma_start3A_73 = tpu.memref_slice %arg6[%dma_start3A_62, %dma_start3A_71, %dma_start3A_72] : memref<2x128x128xf32, #tpu.memory_space<vmem>> -> memref<1x128x128xf32, #tpu.memory_space<vmem>>
        %dma_start3A_74 = tpu.memref_squeeze %dma_start3A_73 : memref<1x128x128xf32, #tpu.memory_space<vmem>> -> memref<128x128xf32, #tpu.memory_space<vmem>>
        tpu.enqueue_dma source(%dma_start3A_74 : memref<128x128xf32, #tpu.memory_space<vmem>>) target(%dma_start3A_70 : memref<128x128xf32, #tpu.memory_space<hbm>>) target_semaphore(%arg9 : memref<!tpu.dma_semaphore, #tpu.memory_space<semaphore_mem>>)
        %lt3A = arith.constant 159 : i32
        %lt3A_75 = arith.cmpi slt, %add3A_47, %lt3A : i32
        %convert_element_type3A_76 = arith.extui %lt3A_75 : i1 to i32
        %cond3A_77 = arith.constant 0 : i32
        %cond3A_78 = arith.cmpi ne, %convert_element_type3A_76, %cond3A_77 : i32
        scf.if %cond3A_78 {
          %ge3A = arith.constant 1 : i32
          %ge3A_113 = arith.cmpi sge, %add3A_47, %ge3A : i32
          %convert_element_type3A_114 = arith.extui %ge3A_113 : i1 to i32
          %cond3A_115 = arith.constant 0 : i32
          %cond3A_116 = arith.cmpi ne, %convert_element_type3A_114, %cond3A_115 : i32
          scf.if %cond3A_116 {
            %sub3A = arith.constant 1 : i32
            %sub3A_130 = arith.subi %add3A_47, %sub3A : i32
            %mul3A_131 = arith.constant 128 : i32
            %mul3A_132 = arith.muli %sub3A_130, %mul3A_131 : i32
            %add3A_133 = arith.addi %mul3A_9, %mul3A_132 : i32
            %dma_wait3A_134 = arith.constant 1 : i32
            %dma_wait3A_135 = arith.constant 0 : i32
            %dma_wait3A_136 = arith.constant 0 : i32
            %dma_wait3A_137 = tpu.memref_slice %arg6[%dma_wait3A_134, %dma_wait3A_135, %dma_wait3A_136] : memref<2x128x128xf32, #tpu.memory_space<vmem>> -> memref<1x128x128xf32, #tpu.memory_space<vmem>>
            %dma_wait3A_138 = tpu.memref_squeeze %dma_wait3A_137 : memref<1x128x128xf32, #tpu.memory_space<vmem>> -> memref<128x128xf32, #tpu.memory_space<vmem>>
            %dma_wait3A_139 = arith.constant 0 : i32
            %dma_wait3A_140 = tpu.memref_slice %arg4[%add3A_133, %dma_wait3A_139] : memref<640000x128xf32, #tpu.memory_space<hbm>> -> memref<128x128xf32, #tpu.memory_space<hbm>>
            %dma_wait3A_141 = arith.constant 0 : i32
            %dma_wait3A_142 = tpu.memref_slice %arg4[%add3A_133, %dma_wait3A_141] : memref<640000x128xf32, #tpu.memory_space<hbm>> -> memref<128x128xf32, #tpu.memory_space<hbm>>
            %dma_wait3A_143 = arith.constant 0 : i32
            %dma_wait3A_144 = arith.constant 0 : i32
            %dma_wait3A_145 = tpu.memref_slice %arg6[%dma_wait3A_134, %dma_wait3A_143, %dma_wait3A_144] : memref<2x128x128xf32, #tpu.memory_space<vmem>> -> memref<1x128x128xf32, #tpu.memory_space<vmem>>
            %dma_wait3A_146 = tpu.memref_squeeze %dma_wait3A_145 : memref<1x128x128xf32, #tpu.memory_space<vmem>> -> memref<128x128xf32, #tpu.memory_space<vmem>>
            tpu.wait_dma2 semaphore(%arg10 : memref<!tpu.dma_semaphore, #tpu.memory_space<semaphore_mem>>) src(%dma_wait3A_146 : memref<128x128xf32, #tpu.memory_space<vmem>>) dst(%dma_wait3A_142 : memref<128x128xf32, #tpu.memory_space<hbm>>)
          } else {
          }
          %add3A_117 = arith.constant 1 : i32
          %add3A_118 = arith.addi %add3A_47, %add3A_117 : i32
          %mul3A_119 = arith.constant 128 : i32
          %mul3A_120 = arith.muli %add3A_118, %mul3A_119 : i32
          %dma_start3A_121 = arith.constant 1 : i32
          %dma_start3A_122 = arith.constant 0 : i32
          %dma_start3A_123 = arith.constant 0 : i32
          %dma_start3A_124 = tpu.memref_slice %arg6[%dma_start3A_121, %dma_start3A_122, %dma_start3A_123] : memref<2x128x128xf32, #tpu.memory_space<vmem>> -> memref<1x128x128xf32, #tpu.memory_space<vmem>>
          %dma_start3A_125 = tpu.memref_squeeze %dma_start3A_124 : memref<1x128x128xf32, #tpu.memory_space<vmem>> -> memref<128x128xf32, #tpu.memory_space<vmem>>
          %dma_start3A_126 = tpu.memref_slice %arg5[%mul3A_120] : memref<20480xi32, #tpu.memory_space<vmem>> -> memref<128xi32, #tpu.memory_space<vmem>>
          %dma_start3A_127 = arith.constant 0 : i32
          %dma_start3A_128 = arith.constant 0 : i32
          %dma_start3A_129 = tpu.memref_slice %arg2[%dma_start3A_127, %dma_start3A_128] : memref<320000x128xf32, #tpu.memory_space<hbm>> -> memref<320000x128xf32, #tpu.memory_space<hbm>>
          tpu.enqueue_indirect_dma source(%dma_start3A_129 : memref<320000x128xf32, #tpu.memory_space<hbm>>) target(%dma_start3A_125 : memref<128x128xf32, #tpu.memory_space<vmem>>) offsets(%dma_start3A_126 : memref<128xi32, #tpu.memory_space<vmem>>) semaphore(%arg8 : memref<!tpu.dma_semaphore, #tpu.memory_space<semaphore_mem>>)
        } else {
        }
        %add3A_79 = arith.constant 1 : i32
        %add3A_80 = arith.addi %add3A_45, %add3A_79 : i32
        %mul3A_81 = arith.constant 128 : i32
        %mul3A_82 = arith.muli %add3A_80, %mul3A_81 : i32
        %dma_wait3A_83 = arith.constant 1 : i32
        %dma_wait3A_84 = arith.constant 0 : i32
        %dma_wait3A_85 = arith.constant 0 : i32
        %dma_wait3A_86 = tpu.memref_slice %arg6[%dma_wait3A_83, %dma_wait3A_84, %dma_wait3A_85] : memref<2x128x128xf32, #tpu.memory_space<vmem>> -> memref<1x128x128xf32, #tpu.memory_space<vmem>>
        %dma_wait3A_87 = tpu.memref_squeeze %dma_wait3A_86 : memref<1x128x128xf32, #tpu.memory_space<vmem>> -> memref<128x128xf32, #tpu.memory_space<vmem>>
        %dma_wait3A_88 = tpu.memref_slice %arg5[%mul3A_82] : memref<20480xi32, #tpu.memory_space<vmem>> -> memref<128xi32, #tpu.memory_space<vmem>>
        %dma_wait3A_89 = arith.constant 0 : i32
        %dma_wait3A_90 = arith.constant 0 : i32
        %dma_wait3A_91 = tpu.memref_slice %arg2[%dma_wait3A_89, %dma_wait3A_90] : memref<320000x128xf32, #tpu.memory_space<hbm>> -> memref<320000x128xf32, #tpu.memory_space<hbm>>
        tpu.wait_indirect_dma semaphore(%arg8 : memref<!tpu.dma_semaphore, #tpu.memory_space<semaphore_mem>>) src(%dma_wait3A_91 : memref<320000x128xf32, #tpu.memory_space<hbm>>) dst(%dma_wait3A_87 : memref<128x128xf32, #tpu.memory_space<vmem>>)
        %mul3A_92 = arith.constant 128 : i32
        %mul3A_93 = arith.muli %add3A_80, %mul3A_92 : i32
        %add3A_94 = arith.addi %mul3A_9, %mul3A_93 : i32
        %dma_start3A_95 = arith.constant 1 : i32
        %dma_start3A_96 = arith.constant 0 : i32
        %dma_start3A_97 = arith.constant 0 : i32
        %dma_start3A_98 = tpu.memref_slice %arg6[%dma_start3A_95, %dma_start3A_96, %dma_start3A_97] : memref<2x128x128xf32, #tpu.memory_space<vmem>> -> memref<1x128x128xf32, #tpu.memory_space<vmem>>
        %dma_start3A_99 = tpu.memref_squeeze %dma_start3A_98 : memref<1x128x128xf32, #tpu.memory_space<vmem>> -> memref<128x128xf32, #tpu.memory_space<vmem>>
        %dma_start3A_100 = arith.constant 0 : i32
        %dma_start3A_101 = tpu.memref_slice %arg4[%add3A_94, %dma_start3A_100] : memref<640000x128xf32, #tpu.memory_space<hbm>> -> memref<128x128xf32, #tpu.memory_space<hbm>>
        %dma_start3A_102 = arith.constant 0 : i32
        %dma_start3A_103 = tpu.memref_slice %arg4[%add3A_94, %dma_start3A_102] : memref<640000x128xf32, #tpu.memory_space<hbm>> -> memref<128x128xf32, #tpu.memory_space<hbm>>
        %dma_start3A_104 = arith.constant 0 : i32
        %dma_start3A_105 = arith.constant 0 : i32
        %dma_start3A_106 = tpu.memref_slice %arg6[%dma_start3A_95, %dma_start3A_104, %dma_start3A_105] : memref<2x128x128xf32, #tpu.memory_space<vmem>> -> memref<1x128x128xf32, #tpu.memory_space<vmem>>
        %dma_start3A_107 = tpu.memref_squeeze %dma_start3A_106 : memref<1x128x128xf32, #tpu.memory_space<vmem>> -> memref<128x128xf32, #tpu.memory_space<vmem>>
        tpu.enqueue_dma source(%dma_start3A_107 : memref<128x128xf32, #tpu.memory_space<vmem>>) target(%dma_start3A_103 : memref<128x128xf32, #tpu.memory_space<hbm>>) target_semaphore(%arg10 : memref<!tpu.dma_semaphore, #tpu.memory_space<semaphore_mem>>)
        %lt3A_108 = arith.constant 159 : i32
        %lt3A_109 = arith.cmpi slt, %add3A_80, %lt3A_108 : i32
        %convert_element_type3A_110 = arith.extui %lt3A_109 : i1 to i32
        %cond3A_111 = arith.constant 0 : i32
        %cond3A_112 = arith.cmpi ne, %convert_element_type3A_110, %cond3A_111 : i32
        scf.if %cond3A_112 {
          %ge3A = arith.constant 1 : i32
          %ge3A_113 = arith.cmpi sge, %add3A_80, %ge3A : i32
          %convert_element_type3A_114 = arith.extui %ge3A_113 : i1 to i32
          %cond3A_115 = arith.constant 0 : i32
          %cond3A_116 = arith.cmpi ne, %convert_element_type3A_114, %cond3A_115 : i32
          scf.if %cond3A_116 {
            %sub3A = arith.constant 1 : i32
            %sub3A_130 = arith.subi %add3A_80, %sub3A : i32
            %mul3A_131 = arith.constant 128 : i32
            %mul3A_132 = arith.muli %sub3A_130, %mul3A_131 : i32
            %add3A_133 = arith.addi %mul3A_9, %mul3A_132 : i32
            %dma_wait3A_134 = arith.constant 0 : i32
            %dma_wait3A_135 = arith.constant 0 : i32
            %dma_wait3A_136 = arith.constant 0 : i32
            %dma_wait3A_137 = tpu.memref_slice %arg6[%dma_wait3A_134, %dma_wait3A_135, %dma_wait3A_136] : memref<2x128x128xf32, #tpu.memory_space<vmem>> -> memref<1x128x128xf32, #tpu.memory_space<vmem>>
            %dma_wait3A_138 = tpu.memref_squeeze %dma_wait3A_137 : memref<1x128x128xf32, #tpu.memory_space<vmem>> -> memref<128x128xf32, #tpu.memory_space<vmem>>
            %dma_wait3A_139 = arith.constant 0 : i32
            %dma_wait3A_140 = tpu.memref_slice %arg4[%add3A_133, %dma_wait3A_139] : memref<640000x128xf32, #tpu.memory_space<hbm>> -> memref<128x128xf32, #tpu.memory_space<hbm>>
            %dma_wait3A_141 = arith.constant 0 : i32
            %dma_wait3A_142 = tpu.memref_slice %arg4[%add3A_133, %dma_wait3A_141] : memref<640000x128xf32, #tpu.memory_space<hbm>> -> memref<128x128xf32, #tpu.memory_space<hbm>>
            %dma_wait3A_143 = arith.constant 0 : i32
            %dma_wait3A_144 = arith.constant 0 : i32
            %dma_wait3A_145 = tpu.memref_slice %arg6[%dma_wait3A_134, %dma_wait3A_143, %dma_wait3A_144] : memref<2x128x128xf32, #tpu.memory_space<vmem>> -> memref<1x128x128xf32, #tpu.memory_space<vmem>>
            %dma_wait3A_146 = tpu.memref_squeeze %dma_wait3A_145 : memref<1x128x128xf32, #tpu.memory_space<vmem>> -> memref<128x128xf32, #tpu.memory_space<vmem>>
            tpu.wait_dma2 semaphore(%arg9 : memref<!tpu.dma_semaphore, #tpu.memory_space<semaphore_mem>>) src(%dma_wait3A_146 : memref<128x128xf32, #tpu.memory_space<vmem>>) dst(%dma_wait3A_142 : memref<128x128xf32, #tpu.memory_space<hbm>>)
          } else {
          }
          %add3A_117 = arith.constant 1 : i32
          %add3A_118 = arith.addi %add3A_80, %add3A_117 : i32
          %mul3A_119 = arith.constant 128 : i32
          %mul3A_120 = arith.muli %add3A_118, %mul3A_119 : i32
          %dma_start3A_121 = arith.constant 0 : i32
          %dma_start3A_122 = arith.constant 0 : i32
          %dma_start3A_123 = arith.constant 0 : i32
          %dma_start3A_124 = tpu.memref_slice %arg6[%dma_start3A_121, %dma_start3A_122, %dma_start3A_123] : memref<2x128x128xf32, #tpu.memory_space<vmem>> -> memref<1x128x128xf32, #tpu.memory_space<vmem>>
          %dma_start3A_125 = tpu.memref_squeeze %dma_start3A_124 : memref<1x128x128xf32, #tpu.memory_space<vmem>> -> memref<128x128xf32, #tpu.memory_space<vmem>>
          %dma_start3A_126 = tpu.memref_slice %arg5[%mul3A_120] : memref<20480xi32, #tpu.memory_space<vmem>> -> memref<128xi32, #tpu.memory_space<vmem>>
          %dma_start3A_127 = arith.constant 0 : i32
          %dma_start3A_128 = arith.constant 0 : i32
          %dma_start3A_129 = tpu.memref_slice %arg2[%dma_start3A_127, %dma_start3A_128] : memref<320000x128xf32, #tpu.memory_space<hbm>> -> memref<320000x128xf32, #tpu.memory_space<hbm>>
          tpu.enqueue_indirect_dma source(%dma_start3A_129 : memref<320000x128xf32, #tpu.memory_space<hbm>>) target(%dma_start3A_125 : memref<128x128xf32, #tpu.memory_space<vmem>>) offsets(%dma_start3A_126 : memref<128xi32, #tpu.memory_space<vmem>>) semaphore(%arg7 : memref<!tpu.dma_semaphore, #tpu.memory_space<semaphore_mem>>)
        } else {
        }
      }
      %scan3A_22 = arith.constant 80 : i32
      %add3A = arith.constant 20352 : i32
      %add3A_23 = arith.addi %mul3A_9, %add3A : i32
      %dma_wait3A = arith.constant 1 : i32
      %dma_wait3A_24 = arith.constant 0 : i32
      %dma_wait3A_25 = arith.constant 0 : i32
      %dma_wait3A_26 = tpu.memref_slice %arg6[%dma_wait3A, %dma_wait3A_24, %dma_wait3A_25] : memref<2x128x128xf32, #tpu.memory_space<vmem>> -> memref<1x128x128xf32, #tpu.memory_space<vmem>>
      %dma_wait3A_27 = tpu.memref_squeeze %dma_wait3A_26 : memref<1x128x128xf32, #tpu.memory_space<vmem>> -> memref<128x128xf32, #tpu.memory_space<vmem>>
      %dma_wait3A_28 = arith.constant 0 : i32
      %dma_wait3A_29 = tpu.memref_slice %arg4[%add3A_23, %dma_wait3A_28] : memref<640000x128xf32, #tpu.memory_space<hbm>> -> memref<128x128xf32, #tpu.memory_space<hbm>>
      %dma_wait3A_30 = arith.constant 0 : i32
      %dma_wait3A_31 = tpu.memref_slice %arg4[%add3A_23, %dma_wait3A_30] : memref<640000x128xf32, #tpu.memory_space<hbm>> -> memref<128x128xf32, #tpu.memory_space<hbm>>
      %dma_wait3A_32 = arith.constant 0 : i32
      %dma_wait3A_33 = arith.constant 0 : i32
      %dma_wait3A_34 = tpu.memref_slice %arg6[%dma_wait3A, %dma_wait3A_32, %dma_wait3A_33] : memref<2x128x128xf32, #tpu.memory_space<vmem>> -> memref<1x128x128xf32, #tpu.memory_space<vmem>>
      %dma_wait3A_35 = tpu.memref_squeeze %dma_wait3A_34 : memref<1x128x128xf32, #tpu.memory_space<vmem>> -> memref<128x128xf32, #tpu.memory_space<vmem>>
      tpu.wait_dma2 semaphore(%arg10 : memref<!tpu.dma_semaphore, #tpu.memory_space<semaphore_mem>>) src(%dma_wait3A_35 : memref<128x128xf32, #tpu.memory_space<vmem>>) dst(%dma_wait3A_31 : memref<128x128xf32, #tpu.memory_space<hbm>>)
      %eq3A_36 = arith.constant 0 : i32
      %eq3A_37 = arith.cmpi eq, %arg1, %eq3A_36 : i32
      %convert_element_type3A_38 = arith.extui %eq3A_37 : i1 to i32
      %cond3A_39 = arith.constant 0 : i32
      %cond3A_40 = arith.cmpi ne, %convert_element_type3A_38, %cond3A_39 : i32
      scf.if %cond3A_40 {
        "tpu.region"() ({
          %run_scoped3A = tpu.sem_alloc : memref<!tpu.dma_semaphore, #tpu.memory_space<semaphore_mem>>
          %dma_start3A_71 = arith.constant 0 : i32
          %dma_start3A_72 = tpu.memref_slice %arg5[%dma_start3A_71] : memref<20480xi32, #tpu.memory_space<vmem>> -> memref<1024xi32, #tpu.memory_space<vmem>>
          %dma_start3A_73 = arith.constant 638976 : i32
          %dma_start3A_74 = tpu.memref_slice %arg3[%dma_start3A_73] : memref<640000xi32, #tpu.memory_space<hbm>> -> memref<1024xi32, #tpu.memory_space<hbm>>
          %dma_start3A_75 = arith.constant 0 : i32
          %dma_start3A_76 = tpu.memref_slice %arg5[%dma_start3A_75] : memref<20480xi32, #tpu.memory_space<vmem>> -> memref<1024xi32, #tpu.memory_space<vmem>>
          %dma_start3A_77 = arith.constant 638976 : i32
          %dma_start3A_78 = tpu.memref_slice %arg3[%dma_start3A_77] : memref<640000xi32, #tpu.memory_space<hbm>> -> memref<1024xi32, #tpu.memory_space<hbm>>
          tpu.enqueue_dma source(%dma_start3A_78 : memref<1024xi32, #tpu.memory_space<hbm>>) target(%dma_start3A_76 : memref<1024xi32, #tpu.memory_space<vmem>>) target_semaphore(%run_scoped3A : memref<!tpu.dma_semaphore, #tpu.memory_space<semaphore_mem>>)
          %dma_wait3A_79 = arith.constant 0 : i32
          %dma_wait3A_80 = tpu.memref_slice %arg5[%dma_wait3A_79] : memref<20480xi32, #tpu.memory_space<vmem>> -> memref<1024xi32, #tpu.memory_space<vmem>>
          %dma_wait3A_81 = arith.constant 638976 : i32
          %dma_wait3A_82 = tpu.memref_slice %arg3[%dma_wait3A_81] : memref<640000xi32, #tpu.memory_space<hbm>> -> memref<1024xi32, #tpu.memory_space<hbm>>
          %dma_wait3A_83 = arith.constant 0 : i32
          %dma_wait3A_84 = tpu.memref_slice %arg5[%dma_wait3A_83] : memref<20480xi32, #tpu.memory_space<vmem>> -> memref<1024xi32, #tpu.memory_space<vmem>>
          %dma_wait3A_85 = arith.constant 638976 : i32
          %dma_wait3A_86 = tpu.memref_slice %arg3[%dma_wait3A_85] : memref<640000xi32, #tpu.memory_space<hbm>> -> memref<1024xi32, #tpu.memory_space<hbm>>
          tpu.wait_dma2 semaphore(%run_scoped3A : memref<!tpu.dma_semaphore, #tpu.memory_space<semaphore_mem>>) src(%dma_wait3A_86 : memref<1024xi32, #tpu.memory_space<hbm>>) dst(%dma_wait3A_84 : memref<1024xi32, #tpu.memory_space<vmem>>)
          tpu.yield
        }) : () -> ()
        %dma_start3A_41 = arith.constant 0 : i32
        %dma_start3A_42 = arith.constant 0 : i32
        %dma_start3A_43 = arith.constant 0 : i32
        %dma_start3A_44 = tpu.memref_slice %arg6[%dma_start3A_41, %dma_start3A_42, %dma_start3A_43] : memref<2x128x128xf32, #tpu.memory_space<vmem>> -> memref<1x128x128xf32, #tpu.memory_space<vmem>>
        %dma_start3A_45 = tpu.memref_squeeze %dma_start3A_44 : memref<1x128x128xf32, #tpu.memory_space<vmem>> -> memref<128x128xf32, #tpu.memory_space<vmem>>
        %dma_start3A_46 = arith.constant 0 : i32
        %dma_start3A_47 = tpu.memref_slice %arg5[%dma_start3A_46] : memref<20480xi32, #tpu.memory_space<vmem>> -> memref<128xi32, #tpu.memory_space<vmem>>
        %dma_start3A_48 = arith.constant 0 : i32
        %dma_start3A_49 = arith.constant 0 : i32
        %dma_start3A_50 = tpu.memref_slice %arg2[%dma_start3A_48, %dma_start3A_49] : memref<320000x128xf32, #tpu.memory_space<hbm>> -> memref<320000x128xf32, #tpu.memory_space<hbm>>
        tpu.enqueue_indirect_dma source(%dma_start3A_50 : memref<320000x128xf32, #tpu.memory_space<hbm>>) target(%dma_start3A_45 : memref<128x128xf32, #tpu.memory_space<vmem>>) offsets(%dma_start3A_47 : memref<128xi32, #tpu.memory_space<vmem>>) semaphore(%arg7 : memref<!tpu.dma_semaphore, #tpu.memory_space<semaphore_mem>>)
        %scan3A_51 = arith.constant 0 : i32
        %scan3A_52 = arith.constant 4 : i32
        %scan3A_53 = arith.addi %scan3A_51, %scan3A_52 : i32
        %scan3A_54 = arith.constant 1 : i32
        scf.for %scan3A_71 = %scan3A_51 to %scan3A_53 step %scan3A_54  : i32 {
          %mul3A_72 = arith.constant 2 : i32
          %mul3A_73 = arith.muli %scan3A_71, %mul3A_72 : i32
          %add3A_74 = arith.constant 0 : i32
          %add3A_75 = arith.addi %add3A_74, %mul3A_73 : i32
          %add3A_76 = arith.constant 0 : i32
          %add3A_77 = arith.addi %add3A_75, %add3A_76 : i32
          %mul3A_78 = arith.constant 128 : i32
          %mul3A_79 = arith.muli %add3A_77, %mul3A_78 : i32
          %dma_wait3A_80 = arith.constant 0 : i32
          %dma_wait3A_81 = arith.constant 0 : i32
          %dma_wait3A_82 = arith.constant 0 : i32
          %dma_wait3A_83 = tpu.memref_slice %arg6[%dma_wait3A_80, %dma_wait3A_81, %dma_wait3A_82] : memref<2x128x128xf32, #tpu.memory_space<vmem>> -> memref<1x128x128xf32, #tpu.memory_space<vmem>>
          %dma_wait3A_84 = tpu.memref_squeeze %dma_wait3A_83 : memref<1x128x128xf32, #tpu.memory_space<vmem>> -> memref<128x128xf32, #tpu.memory_space<vmem>>
          %dma_wait3A_85 = tpu.memref_slice %arg5[%mul3A_79] : memref<20480xi32, #tpu.memory_space<vmem>> -> memref<128xi32, #tpu.memory_space<vmem>>
          %dma_wait3A_86 = arith.constant 0 : i32
          %dma_wait3A_87 = arith.constant 0 : i32
          %dma_wait3A_88 = tpu.memref_slice %arg2[%dma_wait3A_86, %dma_wait3A_87] : memref<320000x128xf32, #tpu.memory_space<hbm>> -> memref<320000x128xf32, #tpu.memory_space<hbm>>
          tpu.wait_indirect_dma semaphore(%arg7 : memref<!tpu.dma_semaphore, #tpu.memory_space<semaphore_mem>>) src(%dma_wait3A_88 : memref<320000x128xf32, #tpu.memory_space<hbm>>) dst(%dma_wait3A_84 : memref<128x128xf32, #tpu.memory_space<vmem>>)
          %mul3A_89 = arith.constant 128 : i32
          %mul3A_90 = arith.muli %add3A_77, %mul3A_89 : i32
          %add3A_91 = arith.constant 638976 : i32
          %add3A_92 = arith.addi %add3A_91, %mul3A_90 : i32
          %dma_start3A_93 = arith.constant 0 : i32
          %dma_start3A_94 = arith.constant 0 : i32
          %dma_start3A_95 = arith.constant 0 : i32
          %dma_start3A_96 = tpu.memref_slice %arg6[%dma_start3A_93, %dma_start3A_94, %dma_start3A_95] : memref<2x128x128xf32, #tpu.memory_space<vmem>> -> memref<1x128x128xf32, #tpu.memory_space<vmem>>
          %dma_start3A_97 = tpu.memref_squeeze %dma_start3A_96 : memref<1x128x128xf32, #tpu.memory_space<vmem>> -> memref<128x128xf32, #tpu.memory_space<vmem>>
          %dma_start3A_98 = arith.constant 0 : i32
          %dma_start3A_99 = tpu.memref_slice %arg4[%add3A_92, %dma_start3A_98] : memref<640000x128xf32, #tpu.memory_space<hbm>> -> memref<128x128xf32, #tpu.memory_space<hbm>>
          %dma_start3A_100 = arith.constant 0 : i32
          %dma_start3A_101 = tpu.memref_slice %arg4[%add3A_92, %dma_start3A_100] : memref<640000x128xf32, #tpu.memory_space<hbm>> -> memref<128x128xf32, #tpu.memory_space<hbm>>
          %dma_start3A_102 = arith.constant 0 : i32
          %dma_start3A_103 = arith.constant 0 : i32
          %dma_start3A_104 = tpu.memref_slice %arg6[%dma_start3A_93, %dma_start3A_102, %dma_start3A_103] : memref<2x128x128xf32, #tpu.memory_space<vmem>> -> memref<1x128x128xf32, #tpu.memory_space<vmem>>
          %dma_start3A_105 = tpu.memref_squeeze %dma_start3A_104 : memref<1x128x128xf32, #tpu.memory_space<vmem>> -> memref<128x128xf32, #tpu.memory_space<vmem>>
          tpu.enqueue_dma source(%dma_start3A_105 : memref<128x128xf32, #tpu.memory_space<vmem>>) target(%dma_start3A_101 : memref<128x128xf32, #tpu.memory_space<hbm>>) target_semaphore(%arg9 : memref<!tpu.dma_semaphore, #tpu.memory_space<semaphore_mem>>)
          %lt3A = arith.constant 7 : i32
          %lt3A_106 = arith.cmpi slt, %add3A_77, %lt3A : i32
          %convert_element_type3A_107 = arith.extui %lt3A_106 : i1 to i32
          %cond3A_108 = arith.constant 0 : i32
          %cond3A_109 = arith.cmpi ne, %convert_element_type3A_107, %cond3A_108 : i32
          scf.if %cond3A_109 {
            %ge3A = arith.constant 1 : i32
            %ge3A_145 = arith.cmpi sge, %add3A_77, %ge3A : i32
            %convert_element_type3A_146 = arith.extui %ge3A_145 : i1 to i32
            %cond3A_147 = arith.constant 0 : i32
            %cond3A_148 = arith.cmpi ne, %convert_element_type3A_146, %cond3A_147 : i32
            scf.if %cond3A_148 {
              %sub3A = arith.constant 1 : i32
              %sub3A_162 = arith.subi %add3A_77, %sub3A : i32
              %mul3A_163 = arith.constant 128 : i32
              %mul3A_164 = arith.muli %sub3A_162, %mul3A_163 : i32
              %add3A_165 = arith.constant 638976 : i32
              %add3A_166 = arith.addi %add3A_165, %mul3A_164 : i32
              %dma_wait3A_167 = arith.constant 1 : i32
              %dma_wait3A_168 = arith.constant 0 : i32
              %dma_wait3A_169 = arith.constant 0 : i32
              %dma_wait3A_170 = tpu.memref_slice %arg6[%dma_wait3A_167, %dma_wait3A_168, %dma_wait3A_169] : memref<2x128x128xf32, #tpu.memory_space<vmem>> -> memref<1x128x128xf32, #tpu.memory_space<vmem>>
              %dma_wait3A_171 = tpu.memref_squeeze %dma_wait3A_170 : memref<1x128x128xf32, #tpu.memory_space<vmem>> -> memref<128x128xf32, #tpu.memory_space<vmem>>
              %dma_wait3A_172 = arith.constant 0 : i32
              %dma_wait3A_173 = tpu.memref_slice %arg4[%add3A_166, %dma_wait3A_172] : memref<640000x128xf32, #tpu.memory_space<hbm>> -> memref<128x128xf32, #tpu.memory_space<hbm>>
              %dma_wait3A_174 = arith.constant 0 : i32
              %dma_wait3A_175 = tpu.memref_slice %arg4[%add3A_166, %dma_wait3A_174] : memref<640000x128xf32, #tpu.memory_space<hbm>> -> memref<128x128xf32, #tpu.memory_space<hbm>>
              %dma_wait3A_176 = arith.constant 0 : i32
              %dma_wait3A_177 = arith.constant 0 : i32
              %dma_wait3A_178 = tpu.memref_slice %arg6[%dma_wait3A_167, %dma_wait3A_176, %dma_wait3A_177] : memref<2x128x128xf32, #tpu.memory_space<vmem>> -> memref<1x128x128xf32, #tpu.memory_space<vmem>>
              %dma_wait3A_179 = tpu.memref_squeeze %dma_wait3A_178 : memref<1x128x128xf32, #tpu.memory_space<vmem>> -> memref<128x128xf32, #tpu.memory_space<vmem>>
              tpu.wait_dma2 semaphore(%arg10 : memref<!tpu.dma_semaphore, #tpu.memory_space<semaphore_mem>>) src(%dma_wait3A_179 : memref<128x128xf32, #tpu.memory_space<vmem>>) dst(%dma_wait3A_175 : memref<128x128xf32, #tpu.memory_space<hbm>>)
            } else {
            }
            %add3A_149 = arith.constant 1 : i32
            %add3A_150 = arith.addi %add3A_77, %add3A_149 : i32
            %mul3A_151 = arith.constant 128 : i32
            %mul3A_152 = arith.muli %add3A_150, %mul3A_151 : i32
            %dma_start3A_153 = arith.constant 1 : i32
            %dma_start3A_154 = arith.constant 0 : i32
            %dma_start3A_155 = arith.constant 0 : i32
            %dma_start3A_156 = tpu.memref_slice %arg6[%dma_start3A_153, %dma_start3A_154, %dma_start3A_155] : memref<2x128x128xf32, #tpu.memory_space<vmem>> -> memref<1x128x128xf32, #tpu.memory_space<vmem>>
            %dma_start3A_157 = tpu.memref_squeeze %dma_start3A_156 : memref<1x128x128xf32, #tpu.memory_space<vmem>> -> memref<128x128xf32, #tpu.memory_space<vmem>>
            %dma_start3A_158 = tpu.memref_slice %arg5[%mul3A_152] : memref<20480xi32, #tpu.memory_space<vmem>> -> memref<128xi32, #tpu.memory_space<vmem>>
            %dma_start3A_159 = arith.constant 0 : i32
            %dma_start3A_160 = arith.constant 0 : i32
            %dma_start3A_161 = tpu.memref_slice %arg2[%dma_start3A_159, %dma_start3A_160] : memref<320000x128xf32, #tpu.memory_space<hbm>> -> memref<320000x128xf32, #tpu.memory_space<hbm>>
            tpu.enqueue_indirect_dma source(%dma_start3A_161 : memref<320000x128xf32, #tpu.memory_space<hbm>>) target(%dma_start3A_157 : memref<128x128xf32, #tpu.memory_space<vmem>>) offsets(%dma_start3A_158 : memref<128xi32, #tpu.memory_space<vmem>>) semaphore(%arg8 : memref<!tpu.dma_semaphore, #tpu.memory_space<semaphore_mem>>)
          } else {
          }
          %add3A_110 = arith.constant 1 : i32
          %add3A_111 = arith.addi %add3A_75, %add3A_110 : i32
          %mul3A_112 = arith.constant 128 : i32
          %mul3A_113 = arith.muli %add3A_111, %mul3A_112 : i32
          %dma_wait3A_114 = arith.constant 1 : i32
          %dma_wait3A_115 = arith.constant 0 : i32
          %dma_wait3A_116 = arith.constant 0 : i32
          %dma_wait3A_117 = tpu.memref_slice %arg6[%dma_wait3A_114, %dma_wait3A_115, %dma_wait3A_116] : memref<2x128x128xf32, #tpu.memory_space<vmem>> -> memref<1x128x128xf32, #tpu.memory_space<vmem>>
          %dma_wait3A_118 = tpu.memref_squeeze %dma_wait3A_117 : memref<1x128x128xf32, #tpu.memory_space<vmem>> -> memref<128x128xf32, #tpu.memory_space<vmem>>
          %dma_wait3A_119 = tpu.memref_slice %arg5[%mul3A_113] : memref<20480xi32, #tpu.memory_space<vmem>> -> memref<128xi32, #tpu.memory_space<vmem>>
          %dma_wait3A_120 = arith.constant 0 : i32
          %dma_wait3A_121 = arith.constant 0 : i32
          %dma_wait3A_122 = tpu.memref_slice %arg2[%dma_wait3A_120, %dma_wait3A_121] : memref<320000x128xf32, #tpu.memory_space<hbm>> -> memref<320000x128xf32, #tpu.memory_space<hbm>>
          tpu.wait_indirect_dma semaphore(%arg8 : memref<!tpu.dma_semaphore, #tpu.memory_space<semaphore_mem>>) src(%dma_wait3A_122 : memref<320000x128xf32, #tpu.memory_space<hbm>>) dst(%dma_wait3A_118 : memref<128x128xf32, #tpu.memory_space<vmem>>)
          %mul3A_123 = arith.constant 128 : i32
          %mul3A_124 = arith.muli %add3A_111, %mul3A_123 : i32
          %add3A_125 = arith.constant 638976 : i32
          %add3A_126 = arith.addi %add3A_125, %mul3A_124 : i32
          %dma_start3A_127 = arith.constant 1 : i32
          %dma_start3A_128 = arith.constant 0 : i32
          %dma_start3A_129 = arith.constant 0 : i32
          %dma_start3A_130 = tpu.memref_slice %arg6[%dma_start3A_127, %dma_start3A_128, %dma_start3A_129] : memref<2x128x128xf32, #tpu.memory_space<vmem>> -> memref<1x128x128xf32, #tpu.memory_space<vmem>>
          %dma_start3A_131 = tpu.memref_squeeze %dma_start3A_130 : memref<1x128x128xf32, #tpu.memory_space<vmem>> -> memref<128x128xf32, #tpu.memory_space<vmem>>
          %dma_start3A_132 = arith.constant 0 : i32
          %dma_start3A_133 = tpu.memref_slice %arg4[%add3A_126, %dma_start3A_132] : memref<640000x128xf32, #tpu.memory_space<hbm>> -> memref<128x128xf32, #tpu.memory_space<hbm>>
          %dma_start3A_134 = arith.constant 0 : i32
          %dma_start3A_135 = tpu.memref_slice %arg4[%add3A_126, %dma_start3A_134] : memref<640000x128xf32, #tpu.memory_space<hbm>> -> memref<128x128xf32, #tpu.memory_space<hbm>>
          %dma_start3A_136 = arith.constant 0 : i32
          %dma_start3A_137 = arith.constant 0 : i32
          %dma_start3A_138 = tpu.memref_slice %arg6[%dma_start3A_127, %dma_start3A_136, %dma_start3A_137] : memref<2x128x128xf32, #tpu.memory_space<vmem>> -> memref<1x128x128xf32, #tpu.memory_space<vmem>>
          %dma_start3A_139 = tpu.memref_squeeze %dma_start3A_138 : memref<1x128x128xf32, #tpu.memory_space<vmem>> -> memref<128x128xf32, #tpu.memory_space<vmem>>
          tpu.enqueue_dma source(%dma_start3A_139 : memref<128x128xf32, #tpu.memory_space<vmem>>) target(%dma_start3A_135 : memref<128x128xf32, #tpu.memory_space<hbm>>) target_semaphore(%arg10 : memref<!tpu.dma_semaphore, #tpu.memory_space<semaphore_mem>>)
          %lt3A_140 = arith.constant 7 : i32
          %lt3A_141 = arith.cmpi slt, %add3A_111, %lt3A_140 : i32
          %convert_element_type3A_142 = arith.extui %lt3A_141 : i1 to i32
          %cond3A_143 = arith.constant 0 : i32
          %cond3A_144 = arith.cmpi ne, %convert_element_type3A_142, %cond3A_143 : i32
          scf.if %cond3A_144 {
            %ge3A = arith.constant 1 : i32
            %ge3A_145 = arith.cmpi sge, %add3A_111, %ge3A : i32
            %convert_element_type3A_146 = arith.extui %ge3A_145 : i1 to i32
            %cond3A_147 = arith.constant 0 : i32
            %cond3A_148 = arith.cmpi ne, %convert_element_type3A_146, %cond3A_147 : i32
            scf.if %cond3A_148 {
              %sub3A = arith.constant 1 : i32
              %sub3A_162 = arith.subi %add3A_111, %sub3A : i32
              %mul3A_163 = arith.constant 128 : i32
              %mul3A_164 = arith.muli %sub3A_162, %mul3A_163 : i32
              %add3A_165 = arith.constant 638976 : i32
              %add3A_166 = arith.addi %add3A_165, %mul3A_164 : i32
              %dma_wait3A_167 = arith.constant 0 : i32
              %dma_wait3A_168 = arith.constant 0 : i32
              %dma_wait3A_169 = arith.constant 0 : i32
              %dma_wait3A_170 = tpu.memref_slice %arg6[%dma_wait3A_167, %dma_wait3A_168, %dma_wait3A_169] : memref<2x128x128xf32, #tpu.memory_space<vmem>> -> memref<1x128x128xf32, #tpu.memory_space<vmem>>
              %dma_wait3A_171 = tpu.memref_squeeze %dma_wait3A_170 : memref<1x128x128xf32, #tpu.memory_space<vmem>> -> memref<128x128xf32, #tpu.memory_space<vmem>>
              %dma_wait3A_172 = arith.constant 0 : i32
              %dma_wait3A_173 = tpu.memref_slice %arg4[%add3A_166, %dma_wait3A_172] : memref<640000x128xf32, #tpu.memory_space<hbm>> -> memref<128x128xf32, #tpu.memory_space<hbm>>
              %dma_wait3A_174 = arith.constant 0 : i32
              %dma_wait3A_175 = tpu.memref_slice %arg4[%add3A_166, %dma_wait3A_174] : memref<640000x128xf32, #tpu.memory_space<hbm>> -> memref<128x128xf32, #tpu.memory_space<hbm>>
              %dma_wait3A_176 = arith.constant 0 : i32
              %dma_wait3A_177 = arith.constant 0 : i32
              %dma_wait3A_178 = tpu.memref_slice %arg6[%dma_wait3A_167, %dma_wait3A_176, %dma_wait3A_177] : memref<2x128x128xf32, #tpu.memory_space<vmem>> -> memref<1x128x128xf32, #tpu.memory_space<vmem>>
              %dma_wait3A_179 = tpu.memref_squeeze %dma_wait3A_178 : memref<1x128x128xf32, #tpu.memory_space<vmem>> -> memref<128x128xf32, #tpu.memory_space<vmem>>
              tpu.wait_dma2 semaphore(%arg9 : memref<!tpu.dma_semaphore, #tpu.memory_space<semaphore_mem>>) src(%dma_wait3A_179 : memref<128x128xf32, #tpu.memory_space<vmem>>) dst(%dma_wait3A_175 : memref<128x128xf32, #tpu.memory_space<hbm>>)
            } else {
            }
            %add3A_149 = arith.constant 1 : i32
            %add3A_150 = arith.addi %add3A_111, %add3A_149 : i32
            %mul3A_151 = arith.constant 128 : i32
            %mul3A_152 = arith.muli %add3A_150, %mul3A_151 : i32
            %dma_start3A_153 = arith.constant 0 : i32
            %dma_start3A_154 = arith.constant 0 : i32
            %dma_start3A_155 = arith.constant 0 : i32
            %dma_start3A_156 = tpu.memref_slice %arg6[%dma_start3A_153, %dma_start3A_154, %dma_start3A_155] : memref<2x128x128xf32, #tpu.memory_space<vmem>> -> memref<1x128x128xf32, #tpu.memory_space<vmem>>
            %dma_start3A_157 = tpu.memref_squeeze %dma_start3A_156 : memref<1x128x128xf32, #tpu.memory_space<vmem>> -> memref<128x128xf32, #tpu.memory_space<vmem>>
            %dma_start3A_158 = tpu.memref_slice %arg5[%mul3A_152] : memref<20480xi32, #tpu.memory_space<vmem>> -> memref<128xi32, #tpu.memory_space<vmem>>
            %dma_start3A_159 = arith.constant 0 : i32
            %dma_start3A_160 = arith.constant 0 : i32
            %dma_start3A_161 = tpu.memref_slice %arg2[%dma_start3A_159, %dma_start3A_160] : memref<320000x128xf32, #tpu.memory_space<hbm>> -> memref<320000x128xf32, #tpu.memory_space<hbm>>
            tpu.enqueue_indirect_dma source(%dma_start3A_161 : memref<320000x128xf32, #tpu.memory_space<hbm>>) target(%dma_start3A_157 : memref<128x128xf32, #tpu.memory_space<vmem>>) offsets(%dma_start3A_158 : memref<128xi32, #tpu.memory_space<vmem>>) semaphore(%arg7 : memref<!tpu.dma_semaphore, #tpu.memory_space<semaphore_mem>>)
          } else {
          }
        }
        %scan3A_55 = arith.constant 4 : i32
        %dma_wait3A_56 = arith.constant 1 : i32
        %dma_wait3A_57 = arith.constant 0 : i32
        %dma_wait3A_58 = arith.constant 0 : i32
        %dma_wait3A_59 = tpu.memref_slice %arg6[%dma_wait3A_56, %dma_wait3A_57, %dma_wait3A_58] : memref<2x128x128xf32, #tpu.memory_space<vmem>> -> memref<1x128x128xf32, #tpu.memory_space<vmem>>
        %dma_wait3A_60 = tpu.memref_squeeze %dma_wait3A_59 : memref<1x128x128xf32, #tpu.memory_space<vmem>> -> memref<128x128xf32, #tpu.memory_space<vmem>>
        %dma_wait3A_61 = arith.constant 639872 : i32
        %dma_wait3A_62 = arith.constant 0 : i32
        %dma_wait3A_63 = tpu.memref_slice %arg4[%dma_wait3A_61, %dma_wait3A_62] : memref<640000x128xf32, #tpu.memory_space<hbm>> -> memref<128x128xf32, #tpu.memory_space<hbm>>
        %dma_wait3A_64 = arith.constant 639872 : i32
        %dma_wait3A_65 = arith.constant 0 : i32
        %dma_wait3A_66 = tpu.memref_slice %arg4[%dma_wait3A_64, %dma_wait3A_65] : memref<640000x128xf32, #tpu.memory_space<hbm>> -> memref<128x128xf32, #tpu.memory_space<hbm>>
        %dma_wait3A_67 = arith.constant 0 : i32
        %dma_wait3A_68 = arith.constant 0 : i32
        %dma_wait3A_69 = tpu.memref_slice %arg6[%dma_wait3A_56, %dma_wait3A_67, %dma_wait3A_68] : memref<2x128x128xf32, #tpu.memory_space<vmem>> -> memref<1x128x128xf32, #tpu.memory_space<vmem>>
        %dma_wait3A_70 = tpu.memref_squeeze %dma_wait3A_69 : memref<1x128x128xf32, #tpu.memory_space<vmem>> -> memref<128x128xf32, #tpu.memory_space<vmem>>
        tpu.wait_dma2 semaphore(%arg10 : memref<!tpu.dma_semaphore, #tpu.memory_space<semaphore_mem>>) src(%dma_wait3A_70 : memref<128x128xf32, #tpu.memory_space<vmem>>) dst(%dma_wait3A_66 : memref<128x128xf32, #tpu.memory_space<hbm>>)
      } else {
      }
    } else {
    }
    %eq3A_2 = arith.constant 1 : i32
    %eq3A_3 = arith.cmpi eq, %arg0, %eq3A_2 : i32
    %convert_element_type3A_4 = arith.extui %eq3A_3 : i1 to i32
    %cond3A_5 = arith.constant 0 : i32
    %cond3A_6 = arith.cmpi ne, %convert_element_type3A_4, %cond3A_5 : i32
    scf.if %cond3A_6 {
      %mul3A = arith.constant 152 : i32
      %mul3A_7 = arith.muli %arg1, %mul3A : i32
      %add3A = arith.constant 2560 : i32
      %add3A_8 = arith.addi %add3A, %mul3A_7 : i32
      %mul3A_9 = arith.constant 128 : i32
      %mul3A_10 = arith.muli %add3A_8, %mul3A_9 : i32
      "tpu.region"() ({
        %run_scoped3A = tpu.sem_alloc : memref<!tpu.dma_semaphore, #tpu.memory_space<semaphore_mem>>
        %dma_start3A_38 = arith.constant 0 : i32
        %dma_start3A_39 = tpu.memref_slice %arg5[%dma_start3A_38] : memref<20480xi32, #tpu.memory_space<vmem>> -> memref<19456xi32, #tpu.memory_space<vmem>>
        %dma_start3A_40 = tpu.memref_slice %arg3[%mul3A_10] : memref<640000xi32, #tpu.memory_space<hbm>> -> memref<19456xi32, #tpu.memory_space<hbm>>
        %dma_start3A_41 = arith.constant 0 : i32
        %dma_start3A_42 = tpu.memref_slice %arg5[%dma_start3A_41] : memref<20480xi32, #tpu.memory_space<vmem>> -> memref<19456xi32, #tpu.memory_space<vmem>>
        %dma_start3A_43 = tpu.memref_slice %arg3[%mul3A_10] : memref<640000xi32, #tpu.memory_space<hbm>> -> memref<19456xi32, #tpu.memory_space<hbm>>
        tpu.enqueue_dma source(%dma_start3A_43 : memref<19456xi32, #tpu.memory_space<hbm>>) target(%dma_start3A_42 : memref<19456xi32, #tpu.memory_space<vmem>>) target_semaphore(%run_scoped3A : memref<!tpu.dma_semaphore, #tpu.memory_space<semaphore_mem>>)
        %dma_wait3A_44 = arith.constant 0 : i32
        %dma_wait3A_45 = tpu.memref_slice %arg5[%dma_wait3A_44] : memref<20480xi32, #tpu.memory_space<vmem>> -> memref<19456xi32, #tpu.memory_space<vmem>>
        %dma_wait3A_46 = tpu.memref_slice %arg3[%mul3A_10] : memref<640000xi32, #tpu.memory_space<hbm>> -> memref<19456xi32, #tpu.memory_space<hbm>>
        %dma_wait3A_47 = arith.constant 0 : i32
        %dma_wait3A_48 = tpu.memref_slice %arg5[%dma_wait3A_47] : memref<20480xi32, #tpu.memory_space<vmem>> -> memref<19456xi32, #tpu.memory_space<vmem>>
        %dma_wait3A_49 = tpu.memref_slice %arg3[%mul3A_10] : memref<640000xi32, #tpu.memory_space<hbm>> -> memref<19456xi32, #tpu.memory_space<hbm>>
        tpu.wait_dma2 semaphore(%run_scoped3A : memref<!tpu.dma_semaphore, #tpu.memory_space<semaphore_mem>>) src(%dma_wait3A_49 : memref<19456xi32, #tpu.memory_space<hbm>>) dst(%dma_wait3A_48 : memref<19456xi32, #tpu.memory_space<vmem>>)
        tpu.yield
      }) : () -> ()
      %dma_start3A = arith.constant 0 : i32
      %dma_start3A_11 = arith.constant 0 : i32
      %dma_start3A_12 = arith.constant 0 : i32
      %dma_start3A_13 = tpu.memref_slice %arg6[%dma_start3A, %dma_start3A_11, %dma_start3A_12] : memref<2x128x128xf32, #tpu.memory_space<vmem>> -> memref<1x128x128xf32, #tpu.memory_space<vmem>>
      %dma_start3A_14 = tpu.memref_squeeze %dma_start3A_13 : memref<1x128x128xf32, #tpu.memory_space<vmem>> -> memref<128x128xf32, #tpu.memory_space<vmem>>
      %dma_start3A_15 = arith.constant 0 : i32
      %dma_start3A_16 = tpu.memref_slice %arg5[%dma_start3A_15] : memref<20480xi32, #tpu.memory_space<vmem>> -> memref<128xi32, #tpu.memory_space<vmem>>
      %dma_start3A_17 = arith.constant 0 : i32
      %dma_start3A_18 = arith.constant 0 : i32
      %dma_start3A_19 = tpu.memref_slice %arg2[%dma_start3A_17, %dma_start3A_18] : memref<320000x128xf32, #tpu.memory_space<hbm>> -> memref<320000x128xf32, #tpu.memory_space<hbm>>
      tpu.enqueue_indirect_dma source(%dma_start3A_19 : memref<320000x128xf32, #tpu.memory_space<hbm>>) target(%dma_start3A_14 : memref<128x128xf32, #tpu.memory_space<vmem>>) offsets(%dma_start3A_16 : memref<128xi32, #tpu.memory_space<vmem>>) semaphore(%arg7 : memref<!tpu.dma_semaphore, #tpu.memory_space<semaphore_mem>>)
      %scan3A = arith.constant 0 : i32
      %scan3A_20 = arith.constant 76 : i32
      %scan3A_21 = arith.addi %scan3A, %scan3A_20 : i32
      %scan3A_22 = arith.constant 1 : i32
      scf.for %scan3A_38 = %scan3A to %scan3A_21 step %scan3A_22  : i32 {
        %mul3A_39 = arith.constant 2 : i32
        %mul3A_40 = arith.muli %scan3A_38, %mul3A_39 : i32
        %add3A_41 = arith.constant 0 : i32
        %add3A_42 = arith.addi %add3A_41, %mul3A_40 : i32
        %add3A_43 = arith.constant 0 : i32
        %add3A_44 = arith.addi %add3A_42, %add3A_43 : i32
        %mul3A_45 = arith.constant 128 : i32
        %mul3A_46 = arith.muli %add3A_44, %mul3A_45 : i32
        %dma_wait3A_47 = arith.constant 0 : i32
        %dma_wait3A_48 = arith.constant 0 : i32
        %dma_wait3A_49 = arith.constant 0 : i32
        %dma_wait3A_50 = tpu.memref_slice %arg6[%dma_wait3A_47, %dma_wait3A_48, %dma_wait3A_49] : memref<2x128x128xf32, #tpu.memory_space<vmem>> -> memref<1x128x128xf32, #tpu.memory_space<vmem>>
        %dma_wait3A_51 = tpu.memref_squeeze %dma_wait3A_50 : memref<1x128x128xf32, #tpu.memory_space<vmem>> -> memref<128x128xf32, #tpu.memory_space<vmem>>
        %dma_wait3A_52 = tpu.memref_slice %arg5[%mul3A_46] : memref<20480xi32, #tpu.memory_space<vmem>> -> memref<128xi32, #tpu.memory_space<vmem>>
        %dma_wait3A_53 = arith.constant 0 : i32
        %dma_wait3A_54 = arith.constant 0 : i32
        %dma_wait3A_55 = tpu.memref_slice %arg2[%dma_wait3A_53, %dma_wait3A_54] : memref<320000x128xf32, #tpu.memory_space<hbm>> -> memref<320000x128xf32, #tpu.memory_space<hbm>>
        tpu.wait_indirect_dma semaphore(%arg7 : memref<!tpu.dma_semaphore, #tpu.memory_space<semaphore_mem>>) src(%dma_wait3A_55 : memref<320000x128xf32, #tpu.memory_space<hbm>>) dst(%dma_wait3A_51 : memref<128x128xf32, #tpu.memory_space<vmem>>)
        %mul3A_56 = arith.constant 128 : i32
        %mul3A_57 = arith.muli %add3A_44, %mul3A_56 : i32
        %add3A_58 = arith.addi %mul3A_10, %mul3A_57 : i32
        %dma_start3A_59 = arith.constant 0 : i32
        %dma_start3A_60 = arith.constant 0 : i32
        %dma_start3A_61 = arith.constant 0 : i32
        %dma_start3A_62 = tpu.memref_slice %arg6[%dma_start3A_59, %dma_start3A_60, %dma_start3A_61] : memref<2x128x128xf32, #tpu.memory_space<vmem>> -> memref<1x128x128xf32, #tpu.memory_space<vmem>>
        %dma_start3A_63 = tpu.memref_squeeze %dma_start3A_62 : memref<1x128x128xf32, #tpu.memory_space<vmem>> -> memref<128x128xf32, #tpu.memory_space<vmem>>
        %dma_start3A_64 = arith.constant 0 : i32
        %dma_start3A_65 = tpu.memref_slice %arg4[%add3A_58, %dma_start3A_64] : memref<640000x128xf32, #tpu.memory_space<hbm>> -> memref<128x128xf32, #tpu.memory_space<hbm>>
        %dma_start3A_66 = arith.constant 0 : i32
        %dma_start3A_67 = tpu.memref_slice %arg4[%add3A_58, %dma_start3A_66] : memref<640000x128xf32, #tpu.memory_space<hbm>> -> memref<128x128xf32, #tpu.memory_space<hbm>>
        %dma_start3A_68 = arith.constant 0 : i32
        %dma_start3A_69 = arith.constant 0 : i32
        %dma_start3A_70 = tpu.memref_slice %arg6[%dma_start3A_59, %dma_start3A_68, %dma_start3A_69] : memref<2x128x128xf32, #tpu.memory_space<vmem>> -> memref<1x128x128xf32, #tpu.memory_space<vmem>>
        %dma_start3A_71 = tpu.memref_squeeze %dma_start3A_70 : memref<1x128x128xf32, #tpu.memory_space<vmem>> -> memref<128x128xf32, #tpu.memory_space<vmem>>
        tpu.enqueue_dma source(%dma_start3A_71 : memref<128x128xf32, #tpu.memory_space<vmem>>) target(%dma_start3A_67 : memref<128x128xf32, #tpu.memory_space<hbm>>) target_semaphore(%arg9 : memref<!tpu.dma_semaphore, #tpu.memory_space<semaphore_mem>>)
        %lt3A = arith.constant 151 : i32
        %lt3A_72 = arith.cmpi slt, %add3A_44, %lt3A : i32
        %convert_element_type3A_73 = arith.extui %lt3A_72 : i1 to i32
        %cond3A_74 = arith.constant 0 : i32
        %cond3A_75 = arith.cmpi ne, %convert_element_type3A_73, %cond3A_74 : i32
        scf.if %cond3A_75 {
          %ge3A = arith.constant 1 : i32
          %ge3A_110 = arith.cmpi sge, %add3A_44, %ge3A : i32
          %convert_element_type3A_111 = arith.extui %ge3A_110 : i1 to i32
          %cond3A_112 = arith.constant 0 : i32
          %cond3A_113 = arith.cmpi ne, %convert_element_type3A_111, %cond3A_112 : i32
          scf.if %cond3A_113 {
            %sub3A = arith.constant 1 : i32
            %sub3A_127 = arith.subi %add3A_44, %sub3A : i32
            %mul3A_128 = arith.constant 128 : i32
            %mul3A_129 = arith.muli %sub3A_127, %mul3A_128 : i32
            %add3A_130 = arith.addi %mul3A_10, %mul3A_129 : i32
            %dma_wait3A_131 = arith.constant 1 : i32
            %dma_wait3A_132 = arith.constant 0 : i32
            %dma_wait3A_133 = arith.constant 0 : i32
            %dma_wait3A_134 = tpu.memref_slice %arg6[%dma_wait3A_131, %dma_wait3A_132, %dma_wait3A_133] : memref<2x128x128xf32, #tpu.memory_space<vmem>> -> memref<1x128x128xf32, #tpu.memory_space<vmem>>
            %dma_wait3A_135 = tpu.memref_squeeze %dma_wait3A_134 : memref<1x128x128xf32, #tpu.memory_space<vmem>> -> memref<128x128xf32, #tpu.memory_space<vmem>>
            %dma_wait3A_136 = arith.constant 0 : i32
            %dma_wait3A_137 = tpu.memref_slice %arg4[%add3A_130, %dma_wait3A_136] : memref<640000x128xf32, #tpu.memory_space<hbm>> -> memref<128x128xf32, #tpu.memory_space<hbm>>
            %dma_wait3A_138 = arith.constant 0 : i32
            %dma_wait3A_139 = tpu.memref_slice %arg4[%add3A_130, %dma_wait3A_138] : memref<640000x128xf32, #tpu.memory_space<hbm>> -> memref<128x128xf32, #tpu.memory_space<hbm>>
            %dma_wait3A_140 = arith.constant 0 : i32
            %dma_wait3A_141 = arith.constant 0 : i32
            %dma_wait3A_142 = tpu.memref_slice %arg6[%dma_wait3A_131, %dma_wait3A_140, %dma_wait3A_141] : memref<2x128x128xf32, #tpu.memory_space<vmem>> -> memref<1x128x128xf32, #tpu.memory_space<vmem>>
            %dma_wait3A_143 = tpu.memref_squeeze %dma_wait3A_142 : memref<1x128x128xf32, #tpu.memory_space<vmem>> -> memref<128x128xf32, #tpu.memory_space<vmem>>
            tpu.wait_dma2 semaphore(%arg10 : memref<!tpu.dma_semaphore, #tpu.memory_space<semaphore_mem>>) src(%dma_wait3A_143 : memref<128x128xf32, #tpu.memory_space<vmem>>) dst(%dma_wait3A_139 : memref<128x128xf32, #tpu.memory_space<hbm>>)
          } else {
          }
          %add3A_114 = arith.constant 1 : i32
          %add3A_115 = arith.addi %add3A_44, %add3A_114 : i32
          %mul3A_116 = arith.constant 128 : i32
          %mul3A_117 = arith.muli %add3A_115, %mul3A_116 : i32
          %dma_start3A_118 = arith.constant 1 : i32
          %dma_start3A_119 = arith.constant 0 : i32
          %dma_start3A_120 = arith.constant 0 : i32
          %dma_start3A_121 = tpu.memref_slice %arg6[%dma_start3A_118, %dma_start3A_119, %dma_start3A_120] : memref<2x128x128xf32, #tpu.memory_space<vmem>> -> memref<1x128x128xf32, #tpu.memory_space<vmem>>
          %dma_start3A_122 = tpu.memref_squeeze %dma_start3A_121 : memref<1x128x128xf32, #tpu.memory_space<vmem>> -> memref<128x128xf32, #tpu.memory_space<vmem>>
          %dma_start3A_123 = tpu.memref_slice %arg5[%mul3A_117] : memref<20480xi32, #tpu.memory_space<vmem>> -> memref<128xi32, #tpu.memory_space<vmem>>
          %dma_start3A_124 = arith.constant 0 : i32
          %dma_start3A_125 = arith.constant 0 : i32
          %dma_start3A_126 = tpu.memref_slice %arg2[%dma_start3A_124, %dma_start3A_125] : memref<320000x128xf32, #tpu.memory_space<hbm>> -> memref<320000x128xf32, #tpu.memory_space<hbm>>
          tpu.enqueue_indirect_dma source(%dma_start3A_126 : memref<320000x128xf32, #tpu.memory_space<hbm>>) target(%dma_start3A_122 : memref<128x128xf32, #tpu.memory_space<vmem>>) offsets(%dma_start3A_123 : memref<128xi32, #tpu.memory_space<vmem>>) semaphore(%arg8 : memref<!tpu.dma_semaphore, #tpu.memory_space<semaphore_mem>>)
        } else {
        }
        %add3A_76 = arith.constant 1 : i32
        %add3A_77 = arith.addi %add3A_42, %add3A_76 : i32
        %mul3A_78 = arith.constant 128 : i32
        %mul3A_79 = arith.muli %add3A_77, %mul3A_78 : i32
        %dma_wait3A_80 = arith.constant 1 : i32
        %dma_wait3A_81 = arith.constant 0 : i32
        %dma_wait3A_82 = arith.constant 0 : i32
        %dma_wait3A_83 = tpu.memref_slice %arg6[%dma_wait3A_80, %dma_wait3A_81, %dma_wait3A_82] : memref<2x128x128xf32, #tpu.memory_space<vmem>> -> memref<1x128x128xf32, #tpu.memory_space<vmem>>
        %dma_wait3A_84 = tpu.memref_squeeze %dma_wait3A_83 : memref<1x128x128xf32, #tpu.memory_space<vmem>> -> memref<128x128xf32, #tpu.memory_space<vmem>>
        %dma_wait3A_85 = tpu.memref_slice %arg5[%mul3A_79] : memref<20480xi32, #tpu.memory_space<vmem>> -> memref<128xi32, #tpu.memory_space<vmem>>
        %dma_wait3A_86 = arith.constant 0 : i32
        %dma_wait3A_87 = arith.constant 0 : i32
        %dma_wait3A_88 = tpu.memref_slice %arg2[%dma_wait3A_86, %dma_wait3A_87] : memref<320000x128xf32, #tpu.memory_space<hbm>> -> memref<320000x128xf32, #tpu.memory_space<hbm>>
        tpu.wait_indirect_dma semaphore(%arg8 : memref<!tpu.dma_semaphore, #tpu.memory_space<semaphore_mem>>) src(%dma_wait3A_88 : memref<320000x128xf32, #tpu.memory_space<hbm>>) dst(%dma_wait3A_84 : memref<128x128xf32, #tpu.memory_space<vmem>>)
        %mul3A_89 = arith.constant 128 : i32
        %mul3A_90 = arith.muli %add3A_77, %mul3A_89 : i32
        %add3A_91 = arith.addi %mul3A_10, %mul3A_90 : i32
        %dma_start3A_92 = arith.constant 1 : i32
        %dma_start3A_93 = arith.constant 0 : i32
        %dma_start3A_94 = arith.constant 0 : i32
        %dma_start3A_95 = tpu.memref_slice %arg6[%dma_start3A_92, %dma_start3A_93, %dma_start3A_94] : memref<2x128x128xf32, #tpu.memory_space<vmem>> -> memref<1x128x128xf32, #tpu.memory_space<vmem>>
        %dma_start3A_96 = tpu.memref_squeeze %dma_start3A_95 : memref<1x128x128xf32, #tpu.memory_space<vmem>> -> memref<128x128xf32, #tpu.memory_space<vmem>>
        %dma_start3A_97 = arith.constant 0 : i32
        %dma_start3A_98 = tpu.memref_slice %arg4[%add3A_91, %dma_start3A_97] : memref<640000x128xf32, #tpu.memory_space<hbm>> -> memref<128x128xf32, #tpu.memory_space<hbm>>
        %dma_start3A_99 = arith.constant 0 : i32
        %dma_start3A_100 = tpu.memref_slice %arg4[%add3A_91, %dma_start3A_99] : memref<640000x128xf32, #tpu.memory_space<hbm>> -> memref<128x128xf32, #tpu.memory_space<hbm>>
        %dma_start3A_101 = arith.constant 0 : i32
        %dma_start3A_102 = arith.constant 0 : i32
        %dma_start3A_103 = tpu.memref_slice %arg6[%dma_start3A_92, %dma_start3A_101, %dma_start3A_102] : memref<2x128x128xf32, #tpu.memory_space<vmem>> -> memref<1x128x128xf32, #tpu.memory_space<vmem>>
        %dma_start3A_104 = tpu.memref_squeeze %dma_start3A_103 : memref<1x128x128xf32, #tpu.memory_space<vmem>> -> memref<128x128xf32, #tpu.memory_space<vmem>>
        tpu.enqueue_dma source(%dma_start3A_104 : memref<128x128xf32, #tpu.memory_space<vmem>>) target(%dma_start3A_100 : memref<128x128xf32, #tpu.memory_space<hbm>>) target_semaphore(%arg10 : memref<!tpu.dma_semaphore, #tpu.memory_space<semaphore_mem>>)
        %lt3A_105 = arith.constant 151 : i32
        %lt3A_106 = arith.cmpi slt, %add3A_77, %lt3A_105 : i32
        %convert_element_type3A_107 = arith.extui %lt3A_106 : i1 to i32
        %cond3A_108 = arith.constant 0 : i32
        %cond3A_109 = arith.cmpi ne, %convert_element_type3A_107, %cond3A_108 : i32
        scf.if %cond3A_109 {
          %ge3A = arith.constant 1 : i32
          %ge3A_110 = arith.cmpi sge, %add3A_77, %ge3A : i32
          %convert_element_type3A_111 = arith.extui %ge3A_110 : i1 to i32
          %cond3A_112 = arith.constant 0 : i32
          %cond3A_113 = arith.cmpi ne, %convert_element_type3A_111, %cond3A_112 : i32
          scf.if %cond3A_113 {
            %sub3A = arith.constant 1 : i32
            %sub3A_127 = arith.subi %add3A_77, %sub3A : i32
            %mul3A_128 = arith.constant 128 : i32
            %mul3A_129 = arith.muli %sub3A_127, %mul3A_128 : i32
            %add3A_130 = arith.addi %mul3A_10, %mul3A_129 : i32
            %dma_wait3A_131 = arith.constant 0 : i32
            %dma_wait3A_132 = arith.constant 0 : i32
            %dma_wait3A_133 = arith.constant 0 : i32
            %dma_wait3A_134 = tpu.memref_slice %arg6[%dma_wait3A_131, %dma_wait3A_132, %dma_wait3A_133] : memref<2x128x128xf32, #tpu.memory_space<vmem>> -> memref<1x128x128xf32, #tpu.memory_space<vmem>>
            %dma_wait3A_135 = tpu.memref_squeeze %dma_wait3A_134 : memref<1x128x128xf32, #tpu.memory_space<vmem>> -> memref<128x128xf32, #tpu.memory_space<vmem>>
            %dma_wait3A_136 = arith.constant 0 : i32
            %dma_wait3A_137 = tpu.memref_slice %arg4[%add3A_130, %dma_wait3A_136] : memref<640000x128xf32, #tpu.memory_space<hbm>> -> memref<128x128xf32, #tpu.memory_space<hbm>>
            %dma_wait3A_138 = arith.constant 0 : i32
            %dma_wait3A_139 = tpu.memref_slice %arg4[%add3A_130, %dma_wait3A_138] : memref<640000x128xf32, #tpu.memory_space<hbm>> -> memref<128x128xf32, #tpu.memory_space<hbm>>
            %dma_wait3A_140 = arith.constant 0 : i32
            %dma_wait3A_141 = arith.constant 0 : i32
            %dma_wait3A_142 = tpu.memref_slice %arg6[%dma_wait3A_131, %dma_wait3A_140, %dma_wait3A_141] : memref<2x128x128xf32, #tpu.memory_space<vmem>> -> memref<1x128x128xf32, #tpu.memory_space<vmem>>
            %dma_wait3A_143 = tpu.memref_squeeze %dma_wait3A_142 : memref<1x128x128xf32, #tpu.memory_space<vmem>> -> memref<128x128xf32, #tpu.memory_space<vmem>>
            tpu.wait_dma2 semaphore(%arg9 : memref<!tpu.dma_semaphore, #tpu.memory_space<semaphore_mem>>) src(%dma_wait3A_143 : memref<128x128xf32, #tpu.memory_space<vmem>>) dst(%dma_wait3A_139 : memref<128x128xf32, #tpu.memory_space<hbm>>)
          } else {
          }
          %add3A_114 = arith.constant 1 : i32
          %add3A_115 = arith.addi %add3A_77, %add3A_114 : i32
          %mul3A_116 = arith.constant 128 : i32
          %mul3A_117 = arith.muli %add3A_115, %mul3A_116 : i32
          %dma_start3A_118 = arith.constant 0 : i32
          %dma_start3A_119 = arith.constant 0 : i32
          %dma_start3A_120 = arith.constant 0 : i32
          %dma_start3A_121 = tpu.memref_slice %arg6[%dma_start3A_118, %dma_start3A_119, %dma_start3A_120] : memref<2x128x128xf32, #tpu.memory_space<vmem>> -> memref<1x128x128xf32, #tpu.memory_space<vmem>>
          %dma_start3A_122 = tpu.memref_squeeze %dma_start3A_121 : memref<1x128x128xf32, #tpu.memory_space<vmem>> -> memref<128x128xf32, #tpu.memory_space<vmem>>
          %dma_start3A_123 = tpu.memref_slice %arg5[%mul3A_117] : memref<20480xi32, #tpu.memory_space<vmem>> -> memref<128xi32, #tpu.memory_space<vmem>>
          %dma_start3A_124 = arith.constant 0 : i32
          %dma_start3A_125 = arith.constant 0 : i32
          %dma_start3A_126 = tpu.memref_slice %arg2[%dma_start3A_124, %dma_start3A_125] : memref<320000x128xf32, #tpu.memory_space<hbm>> -> memref<320000x128xf32, #tpu.memory_space<hbm>>
          tpu.enqueue_indirect_dma source(%dma_start3A_126 : memref<320000x128xf32, #tpu.memory_space<hbm>>) target(%dma_start3A_122 : memref<128x128xf32, #tpu.memory_space<vmem>>) offsets(%dma_start3A_123 : memref<128xi32, #tpu.memory_space<vmem>>) semaphore(%arg7 : memref<!tpu.dma_semaphore, #tpu.memory_space<semaphore_mem>>)
        } else {
        }
      }
      %scan3A_23 = arith.constant 76 : i32
      %add3A_24 = arith.constant 19328 : i32
      %add3A_25 = arith.addi %mul3A_10, %add3A_24 : i32
      %dma_wait3A = arith.constant 1 : i32
      %dma_wait3A_26 = arith.constant 0 : i32
      %dma_wait3A_27 = arith.constant 0 : i32
      %dma_wait3A_28 = tpu.memref_slice %arg6[%dma_wait3A, %dma_wait3A_26, %dma_wait3A_27] : memref<2x128x128xf32, #tpu.memory_space<vmem>> -> memref<1x128x128xf32, #tpu.memory_space<vmem>>
      %dma_wait3A_29 = tpu.memref_squeeze %dma_wait3A_28 : memref<1x128x128xf32, #tpu.memory_space<vmem>> -> memref<128x128xf32, #tpu.memory_space<vmem>>
      %dma_wait3A_30 = arith.constant 0 : i32
      %dma_wait3A_31 = tpu.memref_slice %arg4[%add3A_25, %dma_wait3A_30] : memref<640000x128xf32, #tpu.memory_space<hbm>> -> memref<128x128xf32, #tpu.memory_space<hbm>>
      %dma_wait3A_32 = arith.constant 0 : i32
      %dma_wait3A_33 = tpu.memref_slice %arg4[%add3A_25, %dma_wait3A_32] : memref<640000x128xf32, #tpu.memory_space<hbm>> -> memref<128x128xf32, #tpu.memory_space<hbm>>
      %dma_wait3A_34 = arith.constant 0 : i32
      %dma_wait3A_35 = arith.constant 0 : i32
      %dma_wait3A_36 = tpu.memref_slice %arg6[%dma_wait3A, %dma_wait3A_34, %dma_wait3A_35] : memref<2x128x128xf32, #tpu.memory_space<vmem>> -> memref<1x128x128xf32, #tpu.memory_space<vmem>>
      %dma_wait3A_37 = tpu.memref_squeeze %dma_wait3A_36 : memref<1x128x128xf32, #tpu.memory_space<vmem>> -> memref<128x128xf32, #tpu.memory_space<vmem>>
      tpu.wait_dma2 semaphore(%arg10 : memref<!tpu.dma_semaphore, #tpu.memory_space<semaphore_mem>>) src(%dma_wait3A_37 : memref<128x128xf32, #tpu.memory_space<vmem>>) dst(%dma_wait3A_33 : memref<128x128xf32, #tpu.memory_space<hbm>>)
    } else {
    }
    return
  }
}

module attributes {stable_mosaic.version = 14 : i64} {
  func.func @_pre_body(%arg0: i32, %arg1: memref<4000x128xf32, #tpu.memory_space<vmem>>, %arg2: memref<4000x6xf32, #tpu.memory_space<vmem>>, %arg3: memref<128x128xf32, #tpu.memory_space<vmem>>, %arg4: memref<1x128xf32, #tpu.memory_space<vmem>>, %arg5: memref<6x128xf32, #tpu.memory_space<vmem>>, %arg6: memref<4000x128xf32, #tpu.memory_space<vmem>>) attributes {dimension_semantics = [#tpu.dimension_semantics<arbitrary>], iteration_bounds = array<i64: 80>, scalar_prefetch = 0 : i64, scratch_operands = 0 : i64, tpu.core_type = #tpu.core_type<tc>, window_params = [{transform_indices = @transform_0, window_bounds = array<i64: 4000, 128>}, {transform_indices = @transform_1, window_bounds = array<i64: 4000, 6>}, {pipeline_mode = #tpu.pipeline_mode<synchronous>, transform_indices = @transform_2, window_bounds = array<i64: 128, 128>}, {pipeline_mode = #tpu.pipeline_mode<synchronous>, transform_indices = @transform_3, window_bounds = array<i64: 1, 128>}, {pipeline_mode = #tpu.pipeline_mode<synchronous>, transform_indices = @transform_4, window_bounds = array<i64: 6, 128>}, {transform_indices = @transform_5, window_bounds = array<i64: 4000, 128>}]} {
    %get3A = arith.constant 0 : index
    %get3A_0 = arith.constant 0 : index
    %get3A_1 = vector.load %arg1[%get3A, %get3A_0] : memref<4000x128xf32, #tpu.memory_space<vmem>>, vector<4000x128xf32>
    %convert_element_type3A = arith.truncf %get3A_1 : vector<4000x128xf32> to vector<4000x128xbf16>
    %get3A_2 = arith.constant 0 : index
    %get3A_3 = arith.constant 0 : index
    %get3A_4 = vector.load %arg3[%get3A_2, %get3A_3] : memref<128x128xf32, #tpu.memory_space<vmem>>, vector<128x128xf32>
    %convert_element_type3A_5 = arith.truncf %get3A_4 : vector<128x128xf32> to vector<128x128xbf16>
    %dot_general3A = arith.constant dense<0.000000e+00> : vector<4000x128xf32>
    %dot_general3A_6 = tpu.matmul %convert_element_type3A, %convert_element_type3A_5, %dot_general3A {dimension_numbers = #tpu.dot_dimension_numbers<[1], [0], [0], [1], [0, 0, 1, 1], [], []>, transpose_lhs_hint = false} : vector<4000x128xbf16>, vector<128x128xbf16>, vector<4000x128xf32> -> vector<4000x128xf32>
    %get3A_7 = arith.constant 0 : index
    %get3A_8 = arith.constant 0 : index
    %get3A_9 = vector.load %arg4[%get3A_7, %get3A_8] : memref<1x128xf32, #tpu.memory_space<vmem>>, vector<1x128xf32>
    %add3A = vector.broadcast %get3A_9 : vector<1x128xf32> to vector<4000x128xf32>
    %add3A_10 = arith.addf %dot_general3A_6, %add3A : vector<4000x128xf32>
    %logistic3A = arith.negf %add3A_10 : vector<4000x128xf32>
    %logistic3A_11 = math.exp %logistic3A : vector<4000x128xf32>
    %logistic3A_12 = arith.constant 1.000000e+00 : f32
    %logistic3A_13 = vector.broadcast %logistic3A_12 : f32 to vector<4000x128xf32>
    %logistic3A_14 = arith.addf %logistic3A_13, %logistic3A_11 : vector<4000x128xf32>
    %logistic3A_15 = arith.divf %logistic3A_13, %logistic3A_14 : vector<4000x128xf32>
    %mul3A = arith.mulf %add3A_10, %logistic3A_15 : vector<4000x128xf32>
    %broadcast_in_dim3A = arith.constant 0.000000e+00 : f32
    %broadcast_in_dim3A_16 = vector.broadcast %broadcast_in_dim3A : f32 to vector<4000x128xf32>
    %get3A_17 = arith.constant 0 : index
    %get3A_18 = arith.constant 0 : index
    %get3A_19 = vector.load %arg2[%get3A_17, %get3A_18] : memref<4000x6xf32, #tpu.memory_space<vmem>>, vector<4000x1xf32>
    %get3A_20 = arith.constant 0 : index
    %get3A_21 = arith.constant 0 : index
    %get3A_22 = vector.load %arg5[%get3A_20, %get3A_21] : memref<6x128xf32, #tpu.memory_space<vmem>>, vector<1x128xf32>
    %mul3A_23 = vector.broadcast %get3A_19 : vector<4000x1xf32> to vector<4000x128xf32>
    %mul3A_24 = vector.broadcast %get3A_22 : vector<1x128xf32> to vector<4000x128xf32>
    %mul3A_25 = arith.mulf %mul3A_23, %mul3A_24 : vector<4000x128xf32>
    %add3A_26 = arith.addf %broadcast_in_dim3A_16, %mul3A_25 : vector<4000x128xf32>
    %get3A_27 = arith.constant 0 : index
    %get3A_28 = arith.constant 1 : index
    %get3A_29 = vector.load %arg2[%get3A_27, %get3A_28] : memref<4000x6xf32, #tpu.memory_space<vmem>>, vector<4000x1xf32>
    %get3A_30 = arith.constant 1 : index
    %get3A_31 = arith.constant 0 : index
    %get3A_32 = vector.load %arg5[%get3A_30, %get3A_31] : memref<6x128xf32, #tpu.memory_space<vmem>>, vector<1x128xf32>
    %mul3A_33 = vector.broadcast %get3A_29 : vector<4000x1xf32> to vector<4000x128xf32>
    %mul3A_34 = vector.broadcast %get3A_32 : vector<1x128xf32> to vector<4000x128xf32>
    %mul3A_35 = arith.mulf %mul3A_33, %mul3A_34 : vector<4000x128xf32>
    %add3A_36 = arith.addf %add3A_26, %mul3A_35 : vector<4000x128xf32>
    %get3A_37 = arith.constant 0 : index
    %get3A_38 = arith.constant 2 : index
    %get3A_39 = vector.load %arg2[%get3A_37, %get3A_38] : memref<4000x6xf32, #tpu.memory_space<vmem>>, vector<4000x1xf32>
    %get3A_40 = arith.constant 2 : index
    %get3A_41 = arith.constant 0 : index
    %get3A_42 = vector.load %arg5[%get3A_40, %get3A_41] : memref<6x128xf32, #tpu.memory_space<vmem>>, vector<1x128xf32>
    %mul3A_43 = vector.broadcast %get3A_39 : vector<4000x1xf32> to vector<4000x128xf32>
    %mul3A_44 = vector.broadcast %get3A_42 : vector<1x128xf32> to vector<4000x128xf32>
    %mul3A_45 = arith.mulf %mul3A_43, %mul3A_44 : vector<4000x128xf32>
    %add3A_46 = arith.addf %add3A_36, %mul3A_45 : vector<4000x128xf32>
    %get3A_47 = arith.constant 0 : index
    %get3A_48 = arith.constant 3 : index
    %get3A_49 = vector.load %arg2[%get3A_47, %get3A_48] : memref<4000x6xf32, #tpu.memory_space<vmem>>, vector<4000x1xf32>
    %get3A_50 = arith.constant 3 : index
    %get3A_51 = arith.constant 0 : index
    %get3A_52 = vector.load %arg5[%get3A_50, %get3A_51] : memref<6x128xf32, #tpu.memory_space<vmem>>, vector<1x128xf32>
    %mul3A_53 = vector.broadcast %get3A_49 : vector<4000x1xf32> to vector<4000x128xf32>
    %mul3A_54 = vector.broadcast %get3A_52 : vector<1x128xf32> to vector<4000x128xf32>
    %mul3A_55 = arith.mulf %mul3A_53, %mul3A_54 : vector<4000x128xf32>
    %add3A_56 = arith.addf %add3A_46, %mul3A_55 : vector<4000x128xf32>
    %get3A_57 = arith.constant 0 : index
    %get3A_58 = arith.constant 4 : index
    %get3A_59 = vector.load %arg2[%get3A_57, %get3A_58] : memref<4000x6xf32, #tpu.memory_space<vmem>>, vector<4000x1xf32>
    %get3A_60 = arith.constant 4 : index
    %get3A_61 = arith.constant 0 : index
    %get3A_62 = vector.load %arg5[%get3A_60, %get3A_61] : memref<6x128xf32, #tpu.memory_space<vmem>>, vector<1x128xf32>
    %mul3A_63 = vector.broadcast %get3A_59 : vector<4000x1xf32> to vector<4000x128xf32>
    %mul3A_64 = vector.broadcast %get3A_62 : vector<1x128xf32> to vector<4000x128xf32>
    %mul3A_65 = arith.mulf %mul3A_63, %mul3A_64 : vector<4000x128xf32>
    %add3A_66 = arith.addf %add3A_56, %mul3A_65 : vector<4000x128xf32>
    %get3A_67 = arith.constant 0 : index
    %get3A_68 = arith.constant 5 : index
    %get3A_69 = vector.load %arg2[%get3A_67, %get3A_68] : memref<4000x6xf32, #tpu.memory_space<vmem>>, vector<4000x1xf32>
    %get3A_70 = arith.constant 5 : index
    %get3A_71 = arith.constant 0 : index
    %get3A_72 = vector.load %arg5[%get3A_70, %get3A_71] : memref<6x128xf32, #tpu.memory_space<vmem>>, vector<1x128xf32>
    %mul3A_73 = vector.broadcast %get3A_69 : vector<4000x1xf32> to vector<4000x128xf32>
    %mul3A_74 = vector.broadcast %get3A_72 : vector<1x128xf32> to vector<4000x128xf32>
    %mul3A_75 = arith.mulf %mul3A_73, %mul3A_74 : vector<4000x128xf32>
    %add3A_76 = arith.addf %add3A_66, %mul3A_75 : vector<4000x128xf32>
    %mul3A_77 = arith.mulf %mul3A, %add3A_76 : vector<4000x128xf32>
    %swap3A = arith.constant 0 : index
    %swap3A_78 = arith.constant 0 : index
    %swap3A_79 = vector.load %arg6[%swap3A, %swap3A_78] : memref<4000x128xf32, #tpu.memory_space<vmem>>, vector<4000x128xf32>
    tpu.vector_store %arg6[%swap3A, %swap3A_78], %mul3A_77 {strides = array<i32>} : memref<4000x128xf32, #tpu.memory_space<vmem>>, vector<4000x128xf32>,
    return
  }
  func.func @transform_0(%arg0: i32) -> (i32, i32) {
    %c0_i32 = arith.constant 0 : i32
    %c0_i32_0 = arith.constant 0 : i32
    return %arg0, %c0_i32 : i32, i32
  }
  func.func @transform_1(%arg0: i32) -> (i32, i32) {
    %c0_i32 = arith.constant 0 : i32
    %c0_i32_0 = arith.constant 0 : i32
    return %arg0, %c0_i32 : i32, i32
  }
  func.func @transform_2(%arg0: i32) -> (i32, i32) {
    %c0_i32 = arith.constant 0 : i32
    %c0_i32_0 = arith.constant 0 : i32
    %c0_i32_1 = arith.constant 0 : i32
    return %c0_i32, %c0_i32_0 : i32, i32
  }
  func.func @transform_3(%arg0: i32) -> (i32, i32) {
    %c0_i32 = arith.constant 0 : i32
    %c0_i32_0 = arith.constant 0 : i32
    %c0_i32_1 = arith.constant 0 : i32
    return %c0_i32, %c0_i32_0 : i32, i32
  }
  func.func @transform_4(%arg0: i32) -> (i32, i32) {
    %c0_i32 = arith.constant 0 : i32
    %c0_i32_0 = arith.constant 0 : i32
    %c0_i32_1 = arith.constant 0 : i32
    return %c0_i32, %c0_i32_0 : i32, i32
  }
  func.func @transform_5(%arg0: i32) -> (i32, i32) {
    %c0_i32 = arith.constant 0 : i32
    %c0_i32_0 = arith.constant 0 : i32
    return %arg0, %c0_i32 : i32, i32
  }
}

module attributes {stable_mosaic.version = 14 : i64} {
  func.func @_msg_body(%arg0: i32, %arg1: memref<4000x128xf32, #tpu.memory_space<vmem>>, %arg2: memref<4000x42xf32, #tpu.memory_space<vmem>>, %arg3: memref<42x8xf32, #tpu.memory_space<vmem>>, %arg4: memref<128x1024xf32, #tpu.memory_space<vmem>>, %arg5: memref<4000x128xf32, #tpu.memory_space<vmem>>) attributes {dimension_semantics = [#tpu.dimension_semantics<arbitrary>], iteration_bounds = array<i64: 160>, scalar_prefetch = 0 : i64, scratch_operands = 0 : i64, tpu.core_type = #tpu.core_type<tc>, window_params = [{transform_indices = @transform_0, window_bounds = array<i64: 4000, 128>}, {transform_indices = @transform_1, window_bounds = array<i64: 4000, 42>}, {pipeline_mode = #tpu.pipeline_mode<synchronous>, transform_indices = @transform_2, window_bounds = array<i64: 42, 8>}, {pipeline_mode = #tpu.pipeline_mode<synchronous>, transform_indices = @transform_3, window_bounds = array<i64: 128, 1024>}, {transform_indices = @transform_4, window_bounds = array<i64: 4000, 128>}]} {
    %get3A = arith.constant 0 : index
    %get3A_0 = arith.constant 0 : index
    %get3A_1 = vector.load %arg2[%get3A, %get3A_0] : memref<4000x42xf32, #tpu.memory_space<vmem>>, vector<4000x42xf32>
    %get3A_2 = arith.constant 0 : index
    %get3A_3 = arith.constant 0 : index
    %get3A_4 = vector.load %arg3[%get3A_2, %get3A_3] : memref<42x8xf32, #tpu.memory_space<vmem>>, vector<42x8xf32>
    %dot_general3A = arith.constant dense<0.000000e+00> : vector<4000x8xf32>
    %dot_general3A_5 = tpu.matmul %get3A_1, %get3A_4, %dot_general3A {dimension_numbers = #tpu.dot_dimension_numbers<[1], [0], [0], [1], [0, 0, 1, 1], [], []>, transpose_lhs_hint = false} : vector<4000x42xf32>, vector<42x8xf32>, vector<4000x8xf32> -> vector<4000x8xf32>
    %get3A_6 = arith.constant 0 : index
    %get3A_7 = arith.constant 0 : index
    %get3A_8 = vector.load %arg1[%get3A_6, %get3A_7] : memref<4000x128xf32, #tpu.memory_space<vmem>>, vector<4000x128xf32>
    %convert_element_type3A = arith.truncf %get3A_8 : vector<4000x128xf32> to vector<4000x128xbf16>
    %get3A_9 = arith.constant 0 : index
    %get3A_10 = arith.constant 0 : index
    %get3A_11 = vector.load %arg4[%get3A_9, %get3A_10] : memref<128x1024xf32, #tpu.memory_space<vmem>>, vector<128x1024xf32>
    %convert_element_type3A_12 = arith.truncf %get3A_11 : vector<128x1024xf32> to vector<128x1024xbf16>
    %dot_general3A_13 = arith.constant dense<0.000000e+00> : vector<4000x1024xf32>
    %dot_general3A_14 = tpu.matmul %convert_element_type3A, %convert_element_type3A_12, %dot_general3A_13 {dimension_numbers = #tpu.dot_dimension_numbers<[1], [0], [0], [1], [0, 0, 1, 1], [], []>, transpose_lhs_hint = false} : vector<4000x128xbf16>, vector<128x1024xbf16>, vector<4000x1024xf32> -> vector<4000x1024xf32>
    %broadcast_in_dim3A = arith.constant 0.000000e+00 : f32
    %broadcast_in_dim3A_15 = vector.broadcast %broadcast_in_dim3A : f32 to vector<4000x128xf32>
    %slice3A = vector.extract_strided_slice %dot_general3A_5 {offsets = [0, 0], sizes = [4000, 1], strides = [1, 1]} : vector<4000x8xf32> to vector<4000x1xf32>
    %slice3A_16 = vector.extract_strided_slice %dot_general3A_14 {offsets = [0, 0], sizes = [4000, 128], strides = [1, 1]} : vector<4000x1024xf32> to vector<4000x128xf32>
    %mul3A = vector.broadcast %slice3A : vector<4000x1xf32> to vector<4000x128xf32>
    %mul3A_17 = arith.mulf %mul3A, %slice3A_16 : vector<4000x128xf32>
    %add3A = arith.addf %broadcast_in_dim3A_15, %mul3A_17 : vector<4000x128xf32>
    %slice3A_18 = vector.extract_strided_slice %dot_general3A_5 {offsets = [0, 1], sizes = [4000, 1], strides = [1, 1]} : vector<4000x8xf32> to vector<4000x1xf32>
    %slice3A_19 = vector.extract_strided_slice %dot_general3A_14 {offsets = [0, 128], sizes = [4000, 128], strides = [1, 1]} : vector<4000x1024xf32> to vector<4000x128xf32>
    %mul3A_20 = vector.broadcast %slice3A_18 : vector<4000x1xf32> to vector<4000x128xf32>
    %mul3A_21 = arith.mulf %mul3A_20, %slice3A_19 : vector<4000x128xf32>
    %add3A_22 = arith.addf %add3A, %mul3A_21 : vector<4000x128xf32>
    %slice3A_23 = vector.extract_strided_slice %dot_general3A_5 {offsets = [0, 2], sizes = [4000, 1], strides = [1, 1]} : vector<4000x8xf32> to vector<4000x1xf32>
    %slice3A_24 = vector.extract_strided_slice %dot_general3A_14 {offsets = [0, 256], sizes = [4000, 128], strides = [1, 1]} : vector<4000x1024xf32> to vector<4000x128xf32>
    %mul3A_25 = vector.broadcast %slice3A_23 : vector<4000x1xf32> to vector<4000x128xf32>
    %mul3A_26 = arith.mulf %mul3A_25, %slice3A_24 : vector<4000x128xf32>
    %add3A_27 = arith.addf %add3A_22, %mul3A_26 : vector<4000x128xf32>
    %slice3A_28 = vector.extract_strided_slice %dot_general3A_5 {offsets = [0, 3], sizes = [4000, 1], strides = [1, 1]} : vector<4000x8xf32> to vector<4000x1xf32>
    %slice3A_29 = vector.extract_strided_slice %dot_general3A_14 {offsets = [0, 384], sizes = [4000, 128], strides = [1, 1]} : vector<4000x1024xf32> to vector<4000x128xf32>
    %mul3A_30 = vector.broadcast %slice3A_28 : vector<4000x1xf32> to vector<4000x128xf32>
    %mul3A_31 = arith.mulf %mul3A_30, %slice3A_29 : vector<4000x128xf32>
    %add3A_32 = arith.addf %add3A_27, %mul3A_31 : vector<4000x128xf32>
    %slice3A_33 = vector.extract_strided_slice %dot_general3A_5 {offsets = [0, 4], sizes = [4000, 1], strides = [1, 1]} : vector<4000x8xf32> to vector<4000x1xf32>
    %slice3A_34 = vector.extract_strided_slice %dot_general3A_14 {offsets = [0, 512], sizes = [4000, 128], strides = [1, 1]} : vector<4000x1024xf32> to vector<4000x128xf32>
    %mul3A_35 = vector.broadcast %slice3A_33 : vector<4000x1xf32> to vector<4000x128xf32>
    %mul3A_36 = arith.mulf %mul3A_35, %slice3A_34 : vector<4000x128xf32>
    %add3A_37 = arith.addf %add3A_32, %mul3A_36 : vector<4000x128xf32>
    %slice3A_38 = vector.extract_strided_slice %dot_general3A_5 {offsets = [0, 5], sizes = [4000, 1], strides = [1, 1]} : vector<4000x8xf32> to vector<4000x1xf32>
    %slice3A_39 = vector.extract_strided_slice %dot_general3A_14 {offsets = [0, 640], sizes = [4000, 128], strides = [1, 1]} : vector<4000x1024xf32> to vector<4000x128xf32>
    %mul3A_40 = vector.broadcast %slice3A_38 : vector<4000x1xf32> to vector<4000x128xf32>
    %mul3A_41 = arith.mulf %mul3A_40, %slice3A_39 : vector<4000x128xf32>
    %add3A_42 = arith.addf %add3A_37, %mul3A_41 : vector<4000x128xf32>
    %slice3A_43 = vector.extract_strided_slice %dot_general3A_5 {offsets = [0, 6], sizes = [4000, 1], strides = [1, 1]} : vector<4000x8xf32> to vector<4000x1xf32>
    %slice3A_44 = vector.extract_strided_slice %dot_general3A_14 {offsets = [0, 768], sizes = [4000, 128], strides = [1, 1]} : vector<4000x1024xf32> to vector<4000x128xf32>
    %mul3A_45 = vector.broadcast %slice3A_43 : vector<4000x1xf32> to vector<4000x128xf32>
    %mul3A_46 = arith.mulf %mul3A_45, %slice3A_44 : vector<4000x128xf32>
    %add3A_47 = arith.addf %add3A_42, %mul3A_46 : vector<4000x128xf32>
    %slice3A_48 = vector.extract_strided_slice %dot_general3A_5 {offsets = [0, 7], sizes = [4000, 1], strides = [1, 1]} : vector<4000x8xf32> to vector<4000x1xf32>
    %slice3A_49 = vector.extract_strided_slice %dot_general3A_14 {offsets = [0, 896], sizes = [4000, 128], strides = [1, 1]} : vector<4000x1024xf32> to vector<4000x128xf32>
    %mul3A_50 = vector.broadcast %slice3A_48 : vector<4000x1xf32> to vector<4000x128xf32>
    %mul3A_51 = arith.mulf %mul3A_50, %slice3A_49 : vector<4000x128xf32>
    %add3A_52 = arith.addf %add3A_47, %mul3A_51 : vector<4000x128xf32>
    %swap3A = arith.constant 0 : index
    %swap3A_53 = arith.constant 0 : index
    %swap3A_54 = vector.load %arg5[%swap3A, %swap3A_53] : memref<4000x128xf32, #tpu.memory_space<vmem>>, vector<4000x128xf32>
    tpu.vector_store %arg5[%swap3A, %swap3A_53], %add3A_52 {strides = array<i32>} : memref<4000x128xf32, #tpu.memory_space<vmem>>, vector<4000x128xf32>,
    return
  }
  func.func @transform_0(%arg0: i32) -> (i32, i32) {
    %c0_i32 = arith.constant 0 : i32
    %c0_i32_0 = arith.constant 0 : i32
    return %arg0, %c0_i32 : i32, i32
  }
  func.func @transform_1(%arg0: i32) -> (i32, i32) {
    %c0_i32 = arith.constant 0 : i32
    %c0_i32_0 = arith.constant 0 : i32
    return %arg0, %c0_i32 : i32, i32
  }
  func.func @transform_2(%arg0: i32) -> (i32, i32) {
    %c0_i32 = arith.constant 0 : i32
    %c0_i32_0 = arith.constant 0 : i32
    %c0_i32_1 = arith.constant 0 : i32
    return %c0_i32, %c0_i32_0 : i32, i32
  }
  func.func @transform_3(%arg0: i32) -> (i32, i32) {
    %c0_i32 = arith.constant 0 : i32
    %c0_i32_0 = arith.constant 0 : i32
    %c0_i32_1 = arith.constant 0 : i32
    return %c0_i32, %c0_i32_0 : i32, i32
  }
  func.func @transform_4(%arg0: i32) -> (i32, i32) {
    %c0_i32 = arith.constant 0 : i32
    %c0_i32_0 = arith.constant 0 : i32
    return %arg0, %c0_i32 : i32, i32
  }
}

module attributes {stable_mosaic.version = 14 : i64} {
  func.func @_post_body(%arg0: i32, %arg1: memref<4000x128xf32, #tpu.memory_space<vmem>>, %arg2: memref<4000x128xf32, #tpu.memory_space<vmem>>, %arg3: memref<128x128xf32, #tpu.memory_space<vmem>>, %arg4: memref<1x128xf32, #tpu.memory_space<vmem>>, %arg5: memref<128x128xf32, #tpu.memory_space<vmem>>, %arg6: memref<1x128xf32, #tpu.memory_space<vmem>>, %arg7: memref<128x128xf32, #tpu.memory_space<vmem>>, %arg8: memref<1x128xf32, #tpu.memory_space<vmem>>, %arg9: memref<128x128xf32, #tpu.memory_space<vmem>>, %arg10: memref<1x128xf32, #tpu.memory_space<vmem>>, %arg11: memref<128x128xf32, #tpu.memory_space<vmem>>, %arg12: memref<1x128xf32, #tpu.memory_space<vmem>>, %arg13: memref<128x128xf32, #tpu.memory_space<vmem>>, %arg14: memref<1x128xf32, #tpu.memory_space<vmem>>, %arg15: memref<128x128xf32, #tpu.memory_space<vmem>>, %arg16: memref<1x128xf32, #tpu.memory_space<vmem>>, %arg17: memref<128x128xf32, #tpu.memory_space<vmem>>, %arg18: memref<1x128xf32, #tpu.memory_space<vmem>>, %arg19: memref<4000x128xf32, #tpu.memory_space<vmem>>) attributes {dimension_semantics = [#tpu.dimension_semantics<arbitrary>], iteration_bounds = array<i64: 80>, scalar_prefetch = 0 : i64, scratch_operands = 0 : i64, tpu.core_type = #tpu.core_type<tc>, window_params = [{transform_indices = @transform_0, window_bounds = array<i64: 4000, 128>}, {transform_indices = @transform_1, window_bounds = array<i64: 4000, 128>}, {pipeline_mode = #tpu.pipeline_mode<synchronous>, transform_indices = @transform_2, window_bounds = array<i64: 128, 128>}, {pipeline_mode = #tpu.pipeline_mode<synchronous>, transform_indices = @transform_3, window_bounds = array<i64: 1, 128>}, {pipeline_mode = #tpu.pipeline_mode<synchronous>, transform_indices = @transform_4, window_bounds = array<i64: 128, 128>}, {pipeline_mode = #tpu.pipeline_mode<synchronous>, transform_indices = @transform_5, window_bounds = array<i64: 1, 128>}, {pipeline_mode = #tpu.pipeline_mode<synchronous>, transform_indices = @transform_6, window_bounds = array<i64: 128, 128>}, {pipeline_mode = #tpu.pipeline_mode<synchronous>, transform_indices = @transform_7, window_bounds = array<i64: 1, 128>}, {pipeline_mode = #tpu.pipeline_mode<synchronous>, transform_indices = @transform_8, window_bounds = array<i64: 128, 128>}, {pipeline_mode = #tpu.pipeline_mode<synchronous>, transform_indices = @transform_9, window_bounds = array<i64: 1, 128>}, {pipeline_mode = #tpu.pipeline_mode<synchronous>, transform_indices = @transform_10, window_bounds = array<i64: 128, 128>}, {pipeline_mode = #tpu.pipeline_mode<synchronous>, transform_indices = @transform_11, window_bounds = array<i64: 1, 128>}, {pipeline_mode = #tpu.pipeline_mode<synchronous>, transform_indices = @transform_12, window_bounds = array<i64: 128, 128>}, {pipeline_mode = #tpu.pipeline_mode<synchronous>, transform_indices = @transform_13, window_bounds = array<i64: 1, 128>}, {pipeline_mode = #tpu.pipeline_mode<synchronous>, transform_indices = @transform_14, window_bounds = array<i64: 128, 128>}, {pipeline_mode = #tpu.pipeline_mode<synchronous>, transform_indices = @transform_15, window_bounds = array<i64: 1, 128>}, {pipeline_mode = #tpu.pipeline_mode<synchronous>, transform_indices = @transform_16, window_bounds = array<i64: 128, 128>}, {pipeline_mode = #tpu.pipeline_mode<synchronous>, transform_indices = @transform_17, window_bounds = array<i64: 1, 128>}, {transform_indices = @transform_18, window_bounds = array<i64: 4000, 128>}]} {
    %get3A = arith.constant 0 : index
    %get3A_0 = arith.constant 0 : index
    %get3A_1 = vector.load %arg1[%get3A, %get3A_0] : memref<4000x128xf32, #tpu.memory_space<vmem>>, vector<4000x128xf32>
    %convert_element_type3A = arith.truncf %get3A_1 : vector<4000x128xf32> to vector<4000x128xbf16>
    %get3A_2 = arith.constant 0 : index
    %get3A_3 = arith.constant 0 : index
    %get3A_4 = vector.load %arg3[%get3A_2, %get3A_3] : memref<128x128xf32, #tpu.memory_space<vmem>>, vector<128x128xf32>
    %convert_element_type3A_5 = arith.truncf %get3A_4 : vector<128x128xf32> to vector<128x128xbf16>
    %dot_general3A = arith.constant dense<0.000000e+00> : vector<4000x128xf32>
    %dot_general3A_6 = tpu.matmul %convert_element_type3A, %convert_element_type3A_5, %dot_general3A {dimension_numbers = #tpu.dot_dimension_numbers<[1], [0], [0], [1], [0, 0, 1, 1], [], []>, transpose_lhs_hint = false} : vector<4000x128xbf16>, vector<128x128xbf16>, vector<4000x128xf32> -> vector<4000x128xf32>
    %get3A_7 = arith.constant 0 : index
    %get3A_8 = arith.constant 0 : index
    %get3A_9 = vector.load %arg4[%get3A_7, %get3A_8] : memref<1x128xf32, #tpu.memory_space<vmem>>, vector<1x128xf32>
    %add3A = vector.broadcast %get3A_9 : vector<1x128xf32> to vector<4000x128xf32>
    %add3A_10 = arith.addf %dot_general3A_6, %add3A : vector<4000x128xf32>
    %logistic3A = arith.negf %add3A_10 : vector<4000x128xf32>
    %logistic3A_11 = math.exp %logistic3A : vector<4000x128xf32>
    %logistic3A_12 = arith.constant 1.000000e+00 : f32
    %logistic3A_13 = vector.broadcast %logistic3A_12 : f32 to vector<4000x128xf32>
    %logistic3A_14 = arith.addf %logistic3A_13, %logistic3A_11 : vector<4000x128xf32>
    %logistic3A_15 = arith.divf %logistic3A_13, %logistic3A_14 : vector<4000x128xf32>
    %mul3A = arith.mulf %add3A_10, %logistic3A_15 : vector<4000x128xf32>
    %get3A_16 = arith.constant 0 : index
    %get3A_17 = arith.constant 0 : index
    %get3A_18 = vector.load %arg2[%get3A_16, %get3A_17] : memref<4000x128xf32, #tpu.memory_space<vmem>>, vector<4000x128xf32>
    %add3A_19 = arith.addf %mul3A, %get3A_18 : vector<4000x128xf32>
    %convert_element_type3A_20 = arith.truncf %add3A_19 : vector<4000x128xf32> to vector<4000x128xbf16>
    %get3A_21 = arith.constant 0 : index
    %get3A_22 = arith.constant 0 : index
    %get3A_23 = vector.load %arg5[%get3A_21, %get3A_22] : memref<128x128xf32, #tpu.memory_space<vmem>>, vector<128x128xf32>
    %convert_element_type3A_24 = arith.truncf %get3A_23 : vector<128x128xf32> to vector<128x128xbf16>
    %dot_general3A_25 = arith.constant dense<0.000000e+00> : vector<4000x128xf32>
    %dot_general3A_26 = tpu.matmul %convert_element_type3A_20, %convert_element_type3A_24, %dot_general3A_25 {dimension_numbers = #tpu.dot_dimension_numbers<[1], [0], [0], [1], [0, 0, 1, 1], [], []>, transpose_lhs_hint = false} : vector<4000x128xbf16>, vector<128x128xbf16>, vector<4000x128xf32> -> vector<4000x128xf32>
    %get3A_27 = arith.constant 0 : index
    %get3A_28 = arith.constant 0 : index
    %get3A_29 = vector.load %arg6[%get3A_27, %get3A_28] : memref<1x128xf32, #tpu.memory_space<vmem>>, vector<1x128xf32>
    %add3A_30 = vector.broadcast %get3A_29 : vector<1x128xf32> to vector<4000x128xf32>
    %add3A_31 = arith.addf %dot_general3A_26, %add3A_30 : vector<4000x128xf32>
    %logistic3A_32 = arith.negf %add3A_31 : vector<4000x128xf32>
    %logistic3A_33 = math.exp %logistic3A_32 : vector<4000x128xf32>
    %logistic3A_34 = arith.constant 1.000000e+00 : f32
    %logistic3A_35 = vector.broadcast %logistic3A_34 : f32 to vector<4000x128xf32>
    %logistic3A_36 = arith.addf %logistic3A_35, %logistic3A_33 : vector<4000x128xf32>
    %logistic3A_37 = arith.divf %logistic3A_35, %logistic3A_36 : vector<4000x128xf32>
    %mul3A_38 = arith.mulf %add3A_31, %logistic3A_37 : vector<4000x128xf32>
    %convert_element_type3A_39 = arith.truncf %mul3A_38 : vector<4000x128xf32> to vector<4000x128xbf16>
    %get3A_40 = arith.constant 0 : index
    %get3A_41 = arith.constant 0 : index
    %get3A_42 = vector.load %arg7[%get3A_40, %get3A_41] : memref<128x128xf32, #tpu.memory_space<vmem>>, vector<128x128xf32>
    %convert_element_type3A_43 = arith.truncf %get3A_42 : vector<128x128xf32> to vector<128x128xbf16>
    %dot_general3A_44 = arith.constant dense<0.000000e+00> : vector<4000x128xf32>
    %dot_general3A_45 = tpu.matmul %convert_element_type3A_39, %convert_element_type3A_43, %dot_general3A_44 {dimension_numbers = #tpu.dot_dimension_numbers<[1], [0], [0], [1], [0, 0, 1, 1], [], []>, transpose_lhs_hint = false} : vector<4000x128xbf16>, vector<128x128xbf16>, vector<4000x128xf32> -> vector<4000x128xf32>
    %get3A_46 = arith.constant 0 : index
    %get3A_47 = arith.constant 0 : index
    %get3A_48 = vector.load %arg8[%get3A_46, %get3A_47] : memref<1x128xf32, #tpu.memory_space<vmem>>, vector<1x128xf32>
    %add3A_49 = vector.broadcast %get3A_48 : vector<1x128xf32> to vector<4000x128xf32>
    %add3A_50 = arith.addf %dot_general3A_45, %add3A_49 : vector<4000x128xf32>
    %logistic3A_51 = arith.negf %add3A_50 : vector<4000x128xf32>
    %logistic3A_52 = math.exp %logistic3A_51 : vector<4000x128xf32>
    %logistic3A_53 = arith.constant 1.000000e+00 : f32
    %logistic3A_54 = vector.broadcast %logistic3A_53 : f32 to vector<4000x128xf32>
    %logistic3A_55 = arith.addf %logistic3A_54, %logistic3A_52 : vector<4000x128xf32>
    %logistic3A_56 = arith.divf %logistic3A_54, %logistic3A_55 : vector<4000x128xf32>
    %mul3A_57 = arith.mulf %add3A_50, %logistic3A_56 : vector<4000x128xf32>
    %add3A_58 = arith.addf %add3A_19, %mul3A_57 : vector<4000x128xf32>
    %convert_element_type3A_59 = arith.truncf %add3A_58 : vector<4000x128xf32> to vector<4000x128xbf16>
    %get3A_60 = arith.constant 0 : index
    %get3A_61 = arith.constant 0 : index
    %get3A_62 = vector.load %arg9[%get3A_60, %get3A_61] : memref<128x128xf32, #tpu.memory_space<vmem>>, vector<128x128xf32>
    %convert_element_type3A_63 = arith.truncf %get3A_62 : vector<128x128xf32> to vector<128x128xbf16>
    %dot_general3A_64 = arith.constant dense<0.000000e+00> : vector<4000x128xf32>
    %dot_general3A_65 = tpu.matmul %convert_element_type3A_59, %convert_element_type3A_63, %dot_general3A_64 {dimension_numbers = #tpu.dot_dimension_numbers<[1], [0], [0], [1], [0, 0, 1, 1], [], []>, transpose_lhs_hint = false} : vector<4000x128xbf16>, vector<128x128xbf16>, vector<4000x128xf32> -> vector<4000x128xf32>
    %get3A_66 = arith.constant 0 : index
    %get3A_67 = arith.constant 0 : index
    %get3A_68 = vector.load %arg10[%get3A_66, %get3A_67] : memref<1x128xf32, #tpu.memory_space<vmem>>, vector<1x128xf32>
    %add3A_69 = vector.broadcast %get3A_68 : vector<1x128xf32> to vector<4000x128xf32>
    %add3A_70 = arith.addf %dot_general3A_65, %add3A_69 : vector<4000x128xf32>
    %logistic3A_71 = arith.negf %add3A_70 : vector<4000x128xf32>
    %logistic3A_72 = math.exp %logistic3A_71 : vector<4000x128xf32>
    %logistic3A_73 = arith.constant 1.000000e+00 : f32
    %logistic3A_74 = vector.broadcast %logistic3A_73 : f32 to vector<4000x128xf32>
    %logistic3A_75 = arith.addf %logistic3A_74, %logistic3A_72 : vector<4000x128xf32>
    %logistic3A_76 = arith.divf %logistic3A_74, %logistic3A_75 : vector<4000x128xf32>
    %mul3A_77 = arith.mulf %add3A_70, %logistic3A_76 : vector<4000x128xf32>
    %add3A_78 = arith.addf %mul3A_77, %get3A_1 : vector<4000x128xf32>
    %convert_element_type3A_79 = arith.truncf %add3A_78 : vector<4000x128xf32> to vector<4000x128xbf16>
    %get3A_80 = arith.constant 0 : index
    %get3A_81 = arith.constant 0 : index
    %get3A_82 = vector.load %arg11[%get3A_80, %get3A_81] : memref<128x128xf32, #tpu.memory_space<vmem>>, vector<128x128xf32>
    %convert_element_type3A_83 = arith.truncf %get3A_82 : vector<128x128xf32> to vector<128x128xbf16>
    %dot_general3A_84 = arith.constant dense<0.000000e+00> : vector<4000x128xf32>
    %dot_general3A_85 = tpu.matmul %convert_element_type3A_79, %convert_element_type3A_83, %dot_general3A_84 {dimension_numbers = #tpu.dot_dimension_numbers<[1], [0], [0], [1], [0, 0, 1, 1], [], []>, transpose_lhs_hint = false} : vector<4000x128xbf16>, vector<128x128xbf16>, vector<4000x128xf32> -> vector<4000x128xf32>
    %get3A_86 = arith.constant 0 : index
    %get3A_87 = arith.constant 0 : index
    %get3A_88 = vector.load %arg12[%get3A_86, %get3A_87] : memref<1x128xf32, #tpu.memory_space<vmem>>, vector<1x128xf32>
    %add3A_89 = vector.broadcast %get3A_88 : vector<1x128xf32> to vector<4000x128xf32>
    %add3A_90 = arith.addf %dot_general3A_85, %add3A_89 : vector<4000x128xf32>
    %logistic3A_91 = arith.negf %add3A_90 : vector<4000x128xf32>
    %logistic3A_92 = math.exp %logistic3A_91 : vector<4000x128xf32>
    %logistic3A_93 = arith.constant 1.000000e+00 : f32
    %logistic3A_94 = vector.broadcast %logistic3A_93 : f32 to vector<4000x128xf32>
    %logistic3A_95 = arith.addf %logistic3A_94, %logistic3A_92 : vector<4000x128xf32>
    %logistic3A_96 = arith.divf %logistic3A_94, %logistic3A_95 : vector<4000x128xf32>
    %mul3A_97 = arith.mulf %add3A_90, %logistic3A_96 : vector<4000x128xf32>
    %convert_element_type3A_98 = arith.truncf %mul3A_97 : vector<4000x128xf32> to vector<4000x128xbf16>
    %get3A_99 = arith.constant 0 : index
    %get3A_100 = arith.constant 0 : index
    %get3A_101 = vector.load %arg13[%get3A_99, %get3A_100] : memref<128x128xf32, #tpu.memory_space<vmem>>, vector<128x128xf32>
    %convert_element_type3A_102 = arith.truncf %get3A_101 : vector<128x128xf32> to vector<128x128xbf16>
    %dot_general3A_103 = arith.constant dense<0.000000e+00> : vector<4000x128xf32>
    %dot_general3A_104 = tpu.matmul %convert_element_type3A_98, %convert_element_type3A_102, %dot_general3A_103 {dimension_numbers = #tpu.dot_dimension_numbers<[1], [0], [0], [1], [0, 0, 1, 1], [], []>, transpose_lhs_hint = false} : vector<4000x128xbf16>, vector<128x128xbf16>, vector<4000x128xf32> -> vector<4000x128xf32>
    %get3A_105 = arith.constant 0 : index
    %get3A_106 = arith.constant 0 : index
    %get3A_107 = vector.load %arg14[%get3A_105, %get3A_106] : memref<1x128xf32, #tpu.memory_space<vmem>>, vector<1x128xf32>
    %add3A_108 = vector.broadcast %get3A_107 : vector<1x128xf32> to vector<4000x128xf32>
    %add3A_109 = arith.addf %dot_general3A_104, %add3A_108 : vector<4000x128xf32>
    %logistic3A_110 = arith.negf %add3A_109 : vector<4000x128xf32>
    %logistic3A_111 = math.exp %logistic3A_110 : vector<4000x128xf32>
    %logistic3A_112 = arith.constant 1.000000e+00 : f32
    %logistic3A_113 = vector.broadcast %logistic3A_112 : f32 to vector<4000x128xf32>
    %logistic3A_114 = arith.addf %logistic3A_113, %logistic3A_111 : vector<4000x128xf32>
    %logistic3A_115 = arith.divf %logistic3A_113, %logistic3A_114 : vector<4000x128xf32>
    %mul3A_116 = arith.mulf %add3A_109, %logistic3A_115 : vector<4000x128xf32>
    %add3A_117 = arith.addf %add3A_78, %mul3A_116 : vector<4000x128xf32>
    %convert_element_type3A_118 = arith.truncf %add3A_117 : vector<4000x128xf32> to vector<4000x128xbf16>
    %get3A_119 = arith.constant 0 : index
    %get3A_120 = arith.constant 0 : index
    %get3A_121 = vector.load %arg15[%get3A_119, %get3A_120] : memref<128x128xf32, #tpu.memory_space<vmem>>, vector<128x128xf32>
    %convert_element_type3A_122 = arith.truncf %get3A_121 : vector<128x128xf32> to vector<128x128xbf16>
    %dot_general3A_123 = arith.constant dense<0.000000e+00> : vector<4000x128xf32>
    %dot_general3A_124 = tpu.matmul %convert_element_type3A_118, %convert_element_type3A_122, %dot_general3A_123 {dimension_numbers = #tpu.dot_dimension_numbers<[1], [0], [0], [1], [0, 0, 1, 1], [], []>, transpose_lhs_hint = false} : vector<4000x128xbf16>, vector<128x128xbf16>, vector<4000x128xf32> -> vector<4000x128xf32>
    %get3A_125 = arith.constant 0 : index
    %get3A_126 = arith.constant 0 : index
    %get3A_127 = vector.load %arg16[%get3A_125, %get3A_126] : memref<1x128xf32, #tpu.memory_space<vmem>>, vector<1x128xf32>
    %add3A_128 = vector.broadcast %get3A_127 : vector<1x128xf32> to vector<4000x128xf32>
    %add3A_129 = arith.addf %dot_general3A_124, %add3A_128 : vector<4000x128xf32>
    %logistic3A_130 = arith.negf %add3A_129 : vector<4000x128xf32>
    %logistic3A_131 = math.exp %logistic3A_130 : vector<4000x128xf32>
    %logistic3A_132 = arith.constant 1.000000e+00 : f32
    %logistic3A_133 = vector.broadcast %logistic3A_132 : f32 to vector<4000x128xf32>
    %logistic3A_134 = arith.addf %logistic3A_133, %logistic3A_131 : vector<4000x128xf32>
    %logistic3A_135 = arith.divf %logistic3A_133, %logistic3A_134 : vector<4000x128xf32>
    %mul3A_136 = arith.mulf %add3A_129, %logistic3A_135 : vector<4000x128xf32>
    %convert_element_type3A_137 = arith.truncf %mul3A_136 : vector<4000x128xf32> to vector<4000x128xbf16>
    %get3A_138 = arith.constant 0 : index
    %get3A_139 = arith.constant 0 : index
    %get3A_140 = vector.load %arg17[%get3A_138, %get3A_139] : memref<128x128xf32, #tpu.memory_space<vmem>>, vector<128x128xf32>
    %convert_element_type3A_141 = arith.truncf %get3A_140 : vector<128x128xf32> to vector<128x128xbf16>
    %dot_general3A_142 = arith.constant dense<0.000000e+00> : vector<4000x128xf32>
    %dot_general3A_143 = tpu.matmul %convert_element_type3A_137, %convert_element_type3A_141, %dot_general3A_142 {dimension_numbers = #tpu.dot_dimension_numbers<[1], [0], [0], [1], [0, 0, 1, 1], [], []>, transpose_lhs_hint = false} : vector<4000x128xbf16>, vector<128x128xbf16>, vector<4000x128xf32> -> vector<4000x128xf32>
    %get3A_144 = arith.constant 0 : index
    %get3A_145 = arith.constant 0 : index
    %get3A_146 = vector.load %arg18[%get3A_144, %get3A_145] : memref<1x128xf32, #tpu.memory_space<vmem>>, vector<1x128xf32>
    %add3A_147 = vector.broadcast %get3A_146 : vector<1x128xf32> to vector<4000x128xf32>
    %add3A_148 = arith.addf %dot_general3A_143, %add3A_147 : vector<4000x128xf32>
    %logistic3A_149 = arith.negf %add3A_148 : vector<4000x128xf32>
    %logistic3A_150 = math.exp %logistic3A_149 : vector<4000x128xf32>
    %logistic3A_151 = arith.constant 1.000000e+00 : f32
    %logistic3A_152 = vector.broadcast %logistic3A_151 : f32 to vector<4000x128xf32>
    %logistic3A_153 = arith.addf %logistic3A_152, %logistic3A_150 : vector<4000x128xf32>
    %logistic3A_154 = arith.divf %logistic3A_152, %logistic3A_153 : vector<4000x128xf32>
    %mul3A_155 = arith.mulf %add3A_148, %logistic3A_154 : vector<4000x128xf32>
    %add3A_156 = arith.addf %add3A_117, %mul3A_155 : vector<4000x128xf32>
    %swap3A = arith.constant 0 : index
    %swap3A_157 = arith.constant 0 : index
    %swap3A_158 = vector.load %arg19[%swap3A, %swap3A_157] : memref<4000x128xf32, #tpu.memory_space<vmem>>, vector<4000x128xf32>
    tpu.vector_store %arg19[%swap3A, %swap3A_157], %add3A_156 {strides = array<i32>} : memref<4000x128xf32, #tpu.memory_space<vmem>>, vector<4000x128xf32>,
    return
  }
  func.func @transform_0(%arg0: i32) -> (i32, i32) {
    %c0_i32 = arith.constant 0 : i32
    %c0_i32_0 = arith.constant 0 : i32
    return %arg0, %c0_i32 : i32, i32
  }
  func.func @transform_1(%arg0: i32) -> (i32, i32) {
    %c0_i32 = arith.constant 0 : i32
    %c0_i32_0 = arith.constant 0 : i32
    return %arg0, %c0_i32 : i32, i32
  }
  func.func @transform_2(%arg0: i32) -> (i32, i32) {
    %c0_i32 = arith.constant 0 : i32
    %c0_i32_0 = arith.constant 0 : i32
    %c0_i32_1 = arith.constant 0 : i32
    return %c0_i32, %c0_i32_0 : i32, i32
  }
  func.func @transform_3(%arg0: i32) -> (i32, i32) {
    %c0_i32 = arith.constant 0 : i32
    %c0_i32_0 = arith.constant 0 : i32
    %c0_i32_1 = arith.constant 0 : i32
    return %c0_i32, %c0_i32_0 : i32, i32
  }
  func.func @transform_4(%arg0: i32) -> (i32, i32) {
    %c0_i32 = arith.constant 0 : i32
    %c0_i32_0 = arith.constant 0 : i32
    %c0_i32_1 = arith.constant 0 : i32
    return %c0_i32, %c0_i32_0 : i32, i32
  }
  func.func @transform_5(%arg0: i32) -> (i32, i32) {
    %c0_i32 = arith.constant 0 : i32
    %c0_i32_0 = arith.constant 0 : i32
    %c0_i32_1 = arith.constant 0 : i32
    return %c0_i32, %c0_i32_0 : i32, i32
  }
  func.func @transform_6(%arg0: i32) -> (i32, i32) {
    %c0_i32 = arith.constant 0 : i32
    %c0_i32_0 = arith.constant 0 : i32
    %c0_i32_1 = arith.constant 0 : i32
    return %c0_i32, %c0_i32_0 : i32, i32
  }
  func.func @transform_7(%arg0: i32) -> (i32, i32) {
    %c0_i32 = arith.constant 0 : i32
    %c0_i32_0 = arith.constant 0 : i32
    %c0_i32_1 = arith.constant 0 : i32
    return %c0_i32, %c0_i32_0 : i32, i32
  }
  func.func @transform_8(%arg0: i32) -> (i32, i32) {
    %c0_i32 = arith.constant 0 : i32
    %c0_i32_0 = arith.constant 0 : i32
    %c0_i32_1 = arith.constant 0 : i32
    return %c0_i32, %c0_i32_0 : i32, i32
  }
  func.func @transform_9(%arg0: i32) -> (i32, i32) {
    %c0_i32 = arith.constant 0 : i32
    %c0_i32_0 = arith.constant 0 : i32
    %c0_i32_1 = arith.constant 0 : i32
    return %c0_i32, %c0_i32_0 : i32, i32
  }
  func.func @transform_10(%arg0: i32) -> (i32, i32) {
    %c0_i32 = arith.constant 0 : i32
    %c0_i32_0 = arith.constant 0 : i32
    %c0_i32_1 = arith.constant 0 : i32
    return %c0_i32, %c0_i32_0 : i32, i32
  }
  func.func @transform_11(%arg0: i32) -> (i32, i32) {
    %c0_i32 = arith.constant 0 : i32
    %c0_i32_0 = arith.constant 0 : i32
    %c0_i32_1 = arith.constant 0 : i32
    return %c0_i32, %c0_i32_0 : i32, i32
  }
  func.func @transform_12(%arg0: i32) -> (i32, i32) {
    %c0_i32 = arith.constant 0 : i32
    %c0_i32_0 = arith.constant 0 : i32
    %c0_i32_1 = arith.constant 0 : i32
    return %c0_i32, %c0_i32_0 : i32, i32
  }
  func.func @transform_13(%arg0: i32) -> (i32, i32) {
    %c0_i32 = arith.constant 0 : i32
    %c0_i32_0 = arith.constant 0 : i32
    %c0_i32_1 = arith.constant 0 : i32
    return %c0_i32, %c0_i32_0 : i32, i32
  }
  func.func @transform_14(%arg0: i32) -> (i32, i32) {
    %c0_i32 = arith.constant 0 : i32
    %c0_i32_0 = arith.constant 0 : i32
    %c0_i32_1 = arith.constant 0 : i32
    return %c0_i32, %c0_i32_0 : i32, i32
  }
  func.func @transform_15(%arg0: i32) -> (i32, i32) {
    %c0_i32 = arith.constant 0 : i32
    %c0_i32_0 = arith.constant 0 : i32
    %c0_i32_1 = arith.constant 0 : i32
    return %c0_i32, %c0_i32_0 : i32, i32
  }
  func.func @transform_16(%arg0: i32) -> (i32, i32) {
    %c0_i32 = arith.constant 0 : i32
    %c0_i32_0 = arith.constant 0 : i32
    %c0_i32_1 = arith.constant 0 : i32
    return %c0_i32, %c0_i32_0 : i32, i32
  }
  func.func @transform_17(%arg0: i32) -> (i32, i32) {
    %c0_i32 = arith.constant 0 : i32
    %c0_i32_0 = arith.constant 0 : i32
    %c0_i32_1 = arith.constant 0 : i32
    return %c0_i32, %c0_i32_0 : i32, i32
  }
  func.func @transform_18(%arg0: i32) -> (i32, i32) {
    %c0_i32 = arith.constant 0 : i32
    %c0_i32_0 = arith.constant 0 : i32
    return %arg0, %c0_i32 : i32, i32
  }
}

</mosaic_0001>

<sc_bundles>
// kernel: kernel.10.cloned.1.call-start
scs
__scs_entry_jumppad:
0x0: {  	(pc) =	sbr.rel $0x88, $3  }
0x1: {  	(tag) =	ssettag $0x0;
	lr =	simm.s32 $0x1  }
0x2: {  	[smem:$0x3F87] =	sst lr;
	_ =	strace $0xD0000000  }
0x3: {  	_ = 	snop  }
0x4: {  	_ = 	snop  }
0x5: {  	_ = 	snop  }
0x6: {  	_ = 	snop  }
0x7: {  	_ = 	snop  }
__scs_overlays_trampoline_lowered:
0x8: {  	[smem:$0x3F96] =	sst s0  }
0x9: {  	[smem:$0x3F97] =	sst s1  }
0xa: {  	[smem:$0x3F98] =	sst s2  }
0xb: {  	[smem:$0x3F99] =	sst s3  }
0xc: {  	[smem:$0x3F9A] =	sst s4  }
0xd: {  	[smem:$0x3F9B] =	sst s5  }
0xe: {  	[smem:$0x3F9C] =	sst s6  }
0xf: {  	[smem:$0x3F9D] =	sst s7  }
0x10: {  	[smem:$0x3F9E] =	sst s8  }
0x11: {  	[smem:$0x3F9F] =	sst s9;
	s0 =	simm.s32 @!p0 $0x0  }
0x12: {  	s1 =	sld [smem:$0x3F85];
	s0 =	simm.s32 @p0 $0x1  }
0x13: {  	[smem:$0x3FA0] =	sst s0;
	s0 =	simm.s32 @!p1 $0x0  }
0x14: {  	s2 =	sld [smem:$0x3F84];
	s0 =	simm.s32 @p1 $0x1  }
0x15: {  	[smem:$0x3FA1] =	sst s0;
	s0 =	simm.s32 @!p2 $0x0  }
0x16: {  	s3 =	sld [smem:$0x3FDB];
	s0 =	simm.s32 @p2 $0x1  }
0x17: {  	s4 =	simm.s32 $0x1BF5;
	[smem:$0x3FA3] =	sst s0  }
0x18: {  	s0 =	sld [smem:$0x3F86];
	_ =	swait.ge [sflag:s4], $0x0  }
0x19: {  	s7 =	sld [smem:$0x3F87]  }
0x1a: {  	s8 =	sadd.s32 $0xFFFFE003, lr  }
0x1b: {  	s9 =	sadd.s32 $0xFFFFFEF7, lr;
	s5 =	simm.s32 $0xFFFFFFFF;
	p2 =	slt.u32 s8, $0xFFFFF086  }
0x1c: {  	p1 =	slt.u32 s9, $0xF7A;
	s5 =	simm.s32 @!p2 $0x0  }
0x1d: {  	s5 =	simm.s32 @p1 $0x1;
	p0 =	seq.s32 s7, s2  }
0x1e: {  	s7 =	smul.u32 @!p0 $0xF7A, s2;
	p2 =	seq.s32 @!p0 s5, $0x0  }
0x1f: {  	s9 =	smul.u32 $0xF7A, s1;
	s8 =	simm.s32 @!p0 $0x1BF5;
	p2 =	por !p2, p0  }
0x20: {  	[sflag:s8] =	ssyncset.s32 @!p0 $0xFFFFF086;
	s6 =	sadd.s32 @!p0 s3, s7;
	s7 =	simm.s32 @!p0 $0x108  }
0x21: {  	s3 =	sadd.s32 s3, s9;
	s6 =	sadd.s32 @!p0 $0x88, s6;
	s7 =	simm.s32 @p2 $0x1082  }
0x22: {  	[simem:s7], [sflag:s8] =	dma.local @!p0 [hbm:s6], $0xF7A  }
0x23: {  	s9 =	sor.u32 $0xD0000000, s2;
	s6 =	simm.s32 $0x108;
	_ =	swait.ge @!p0 [sflag:s8], $0x0  }
0x24: {  	s3 =	sadd.s32 $0x88, s3;
	s6 =	simm.s32 @!p1 $0x1082;
	[sflag:s4] =	ssyncset.s32 $0xFFFFF086  }
0x25: {  	[simem:s6], [sflag:s4] =	dma.local [hbm:s3], $0xF7A  }
0x26: {  	[smem:$0x3F87] =	sst s1;
	(tag) =	ssettag s2;
	_ =	strace s9  }
0x27: {  	s1 =	sld [smem:$0x3F97]  }
0x28: {  	s2 =	sld [smem:$0x3F98]  }
0x29: {  	s4 =	sld [smem:$0x3F9A]  }
0x2a: {  	p0 =	seq.s32 s5, $0x0;
	s5 =	sld [smem:$0x3F9B]  }
0x2b: {  	s6 =	sld [smem:$0x3F9C]  }
0x2c: {  	s7 =	sld [smem:$0x3F9D]  }
0x2d: {  	s3 =	simm.s32 $0x108;
	s8 =	sld [smem:$0x3F9E]  }
0x2e: {  	s3 =	simm.s32 @!p0 $0x1082;
	s9 =	sld [smem:$0x3F9F]  }
0x2f: {  	lr =	sadd.s32 s0, s3;
	s0 =	sld [smem:$0x3F96]  }
0x30: {  	s3 =	sld [smem:$0x3F99]  }
0x31: {  	[smem:$0x3FA2] =	sst s10  }
0x32: {  	s10 =	sld [smem:$0x3FA0];
	_ =	sdelay $0x3  }
0x33: {  	p0 =	seq.s32 s10, $0x1;
	s10 =	sld [smem:$0x3FA2];
	_ =	sdelay $0x3  }
0x34: {  	[smem:$0x3FA2] =	sst s10  }
0x35: {  	s10 =	sld [smem:$0x3FA1];
	_ =	sdelay $0x3  }
0x36: {  	p1 =	seq.s32 s10, $0x1;
	s10 =	sld [smem:$0x3FA2];
	_ =	sdelay $0x3  }
0x37: {  	[smem:$0x3FA2] =	sst s10  }
0x38: {  	s10 =	sld [smem:$0x3FA3]  }
0x39: {  	_ = 	snop;
	(pc) =	sbr.ind lr, $3  }
0x3a: {  	_ = 	snop  }
0x3b: {  	_ = 	snop  }
0x3c: {  	p2 =	seq.s32 s10, $0x1;
	s10 =	sld [smem:$0x3FA2]  }
0x3d: {  	_ =	shalt  }
0x3e: {  	_ =	shalt  }
0x3f: {  	_ =	shalt  }
0x40: {  	_ =	shalt  }
0x41: {  	_ =	shalt  }
0x42: {  	_ =	shalt  }
0x43: {  	_ =	shalt  }
0x44: {  	_ =	shalt  }
0x45: {  	_ =	shalt  }
0x46: {  	_ =	shalt  }
0x47: {  	_ =	shalt  }
0x48: {  	_ =	shalt  }
0x49: {  	_ =	shalt  }
0x4a: {  	_ =	shalt  }
0x4b: {  	_ =	shalt  }
0x4c: {  	_ =	shalt  }
0x4d: {  	_ =	shalt  }
0x4e: {  	_ =	shalt  }
0x4f: {  	_ =	shalt  }
0x50: {  	_ =	shalt  }
0x51: {  	_ =	shalt  }
0x52: {  	_ =	shalt  }
0x53: {  	_ =	shalt  }
0x54: {  	_ =	shalt  }
0x55: {  	_ =	shalt  }
0x56: {  	_ =	shalt  }
0x57: {  	_ =	shalt  }
0x58: {  	_ =	shalt  }
0x59: {  	_ =	shalt  }
0x5a: {  	_ =	shalt  }
0x5b: {  	_ =	shalt  }
0x5c: {  	_ =	shalt  }
0x5d: {  	_ =	shalt  }
0x5e: {  	_ =	shalt  }
0x5f: {  	_ =	shalt  }
0x60: {  	_ =	shalt  }
0x61: {  	_ =	shalt  }
0x62: {  	_ =	shalt  }
0x63: {  	_ =	shalt  }
0x64: {  	_ =	shalt  }
0x65: {  	_ =	shalt  }
0x66: {  	_ =	shalt  }
0x67: {  	_ =	shalt  }
0x68: {  	_ =	shalt  }
0x69: {  	_ =	shalt  }
0x6a: {  	_ =	shalt  }
0x6b: {  	_ =	shalt  }
0x6c: {  	_ =	shalt  }
0x6d: {  	_ =	shalt  }
0x6e: {  	_ =	shalt  }
0x6f: {  	_ =	shalt  }
0x70: {  	_ =	shalt  }
0x71: {  	_ =	shalt  }
0x72: {  	_ =	shalt  }
0x73: {  	_ =	shalt  }
0x74: {  	_ =	shalt  }
0x75: {  	_ =	shalt  }
0x76: {  	_ =	shalt  }
0x77: {  	_ =	shalt  }
0x78: {  	_ =	shalt  }
0x79: {  	_ =	shalt  }
0x7a: {  	_ =	shalt  }
0x7b: {  	_ =	shalt  }
0x7c: {  	_ =	shalt  }
0x7d: {  	_ =	shalt  }
0x7e: {  	_ =	shalt  }
0x7f: {  	_ =	shalt  }
0x80: {  	_ =	shalt  }
0x81: {  	_ =	shalt  }
0x82: {  	_ =	shalt  }
0x83: {  	_ =	shalt  }
0x84: {  	_ =	shalt  }
0x85: {  	_ =	shalt  }
0x86: {  	_ =	shalt  }
0x87: {  	_ =	shalt  }
.Lfunc_end0:
.L_simem_size_0:
called_computation.1_lowered:
.L_overlay_start_0:
0x88: {  	s2 =	sld [smem:$0x3FD9]  }
0x89: {  	s3 =	sld [smem:$0x3FFE];
	_ =	sdelay $0x1  }
0x8a: {  	s1 =	srdreg.scid  }
0x8b: {  	s0 =	sand.u32 $0x1, s1  }
0x8c: {  	s17 =	sshll.u32 s0, $0xA;
	s2 =	sadd.s32 s3, s2  }
0x8d: {  	s2 =	sadd.s32 s2, s17  }
0x8e: {  	[smem:$0x3FAE] =	sst s2  }
0x8f: {  	_ = 	snop  }
0x90: {  	s2 =	sld [smem:$0x3FC5]  }
0x91: {  	s18 =	sld [smem:$0x3FD0];
	(tm) =	ssettm $0x1  }
0x92: {  	s4 =	sld [smem:$0x3FFB];
	_ =	sdelay $0x3  }
0x93: {  	_ =	strace s4  }
0x94: {  	s4 =	sld [smem:$0x3FFC];
	_ =	sdelay $0x3  }
0x95: {  	_ =	strace s4  }
0x96: {  	s4 =	sld [smem:$0x3FFD];
	_ =	sdelay $0x3  }
0x97: {  	_ =	strace s4  }
0x98: {  	_ =	strace $0x8FFFFFFF  }
0x99: {  	s19 =	sld [smem:$0x3FDB];
	_ =	sdelay $0x1  }
0x9a: {  	s5 =	simm.s32 $_scs_section_size  }
0x9b: {  	s6 =	simm.s32 $_size__tile_overlayer_lowered;
	s7 =	simm.s32 $_tile_overlayer_lowered  }
0x9c: {  	s22 =	simm.s32 $0x1BFF;
	s21 =	sshll.u32 s7, $0x1;
	s4 =	sadd.s32 s5, s19  }
0x9d: {  	s8 =	simm.s32 $0x0;
	s20 =	sshll.u32 s6, $0x1;
	s6 =	sadd.s32 s21, s4  }
0x9e: {  	[timem:s8], [sflag:s22] =	dma.local [hbm:s6], s20  }
0x9f: {  	_ =	swait.ge [sflag:s22], s20  }
0xa0: {  	s5 =	ssub.s32 $0x0, s20;
	[sflag:s22] =	ssyncset.done $0x0  }
0xa1: {  	[sflag:s22] =	ssyncadd.s32 s5;
	_ =	sdelay $0x1  }
0xa2: {  	s23 =	simm.s32 $0x1B8B  }
0xa3: {  	_ =	swait.ge [sflag:s23], $0x1  }
0xa4: {  	[sflag:s23] =	ssyncset.done $0x0  }
0xa5: {  	s25 =	simm.s32 $0x1B8E;
	s24 =	sld [smem:$0x3FFE];
	[sflag:s23] =	ssyncadd.s32 $0xFFFFFFFF  }
0xa6: {  	s26 =	simm.s32 $execute0_lowered;
	[smem:$0x3FD2] =	sst s25  }
0xa7: {  	s6 =	sshll.u32 s26, $0x1;
	_ =	strace $0x80000049;
	[dreg:$0x1] =	wrdreg $0xFFFFFFFF  }
0xa8: {  	s28 =	simm.s32 $_size_execute0_lowered;
	s4 =	sadd.s32 s4, s6;
	[dreg:$0x0] =	wrdreg $0x0  }
0xa9: {  	s6 =	sshll.u32 s28, $0x1;
	[dreg:$0x2] =	wrdreg s4  }
0xaa: {  	[dreg:$0x3] =	wrdreg s6  }
0xab: {  	[dreg:$0x4] =	wrdreg $0xC0  }
0xac: {  	_ =	task [dreg:s8], $0x5FFFF  }
0xad: {  	[dreg:$0x1] =	wrdreg $0xFFFFFFFF  }
0xae: {  	[dreg:$0x0] =	wrdreg $0x60  }
0xaf: {  	[dreg:$0x2] =	wrdreg s24  }
0xb0: {  	[dreg:$0x3] =	wrdreg s2  }
0xb1: {  	[dreg:$0x4] =	wrdreg s18  }
0xb2: {  	[dreg:$0x5] =	wrdreg $0x90000  }
0xb3: {  	[dreg:$0x6] =	wrdreg $0x9  }
0xb4: {  	_ =	task.clear_ibuf [dreg:s8], $0x7FFFF;
	_ =	strace $0x90000049  }
0xb5: {  	s29 =	simm.s32 $0x9;
	_ =	strace $0x8000004B  }
0xb6: {  	_ =	swait.ge [sflag:s29], $0x1  }
0xb7: {  	[sflag:s29] =	ssyncadd.s32 $0xFFFFFFFF  }
0xb8: {  	_ =	strace $0x9000004B  }
0xb9: {  	_ =	sfence  }
0xba: {  	s30 =	sld [smem:$0x0];
	_ =	sdelay $0x2  }
0xbb: {  	s31 =	sshll.u32 s1, $0xD;
	s1 =	sshrl.u32 s1, $0x2  }
0xbc: {  	s3 =	sand.u32 $0x4000, s31;
	s1 =	sadd.s32 s1, s30  }
0xbd: {  	s0 =	sor.u32 s3, s0;
	s1 =	sshll.u32 s1, $0x11  }
0xbe: {  	s0 =	sor.u32 s1, s0  }
0xbf: {  	s0 =	sadd.s32 $0x8F2B, s0  }
0xc0: {  	[sflag:s0] =	ssyncadd.remote.s32 $0x1  }
0xc1: {  	_ =	sfence.sel $0xFFFF  }
0xc2: {  	[dreg:$0x0] =	wrdreg $0xFFFFFFFF;
	(pc) =	sbr.abs _section_cstart, $3  }
0xc3: {  	[dreg:$0x1] =	wrdreg $0xFFFFFFFF  }
0xc4: {  	_ =	task.clear_ibuf [dreg:s8], $0x2FFFF;
	_ =	strace $0x9FFFFFFF  }
0xc5: {  	(tm) =	ssettm $0x7FFFFFFF  }
tec
execute0_lowered:
.L_overlay_start_1:
0x0: {  	(tag) =	ssettag $0x1  }
0x1: {  	s0 =	rddreg [dreg:$0x0]  }
0x2: {  	s1 =	rddreg [dreg:$0x1]  }
0x3: {  	s2 =	rddreg [dreg:$0x2]  }
0x4: {  	s3 =	rddreg [dreg:$0x3];
	s5 =	simm.s32 $0x0  }
0x5: {  	s6 =	srdreg.scid;
	s4 =	stileid.u32;
	s15 =	simm.s32 $0x2  }
0x6: {  	s16 =	simm.s32 $0x1000;
	s17 =	simm.s32 $0x3000;
	s18 =	simm.s32 $0x80  }
0x7: {  	s19 =	simm.s32 $0x5000;
	s20 =	simm.s32 $0x1;
	[smem:$0x7FF] =	sst s5  }
0x8: {  	s8 =	sand.u32 $0x1, s6;
	s10 =	smul.u32 $0x51000, s4;
	s6 =	sadd.s32 $0x186D200, s0  }
0x9: {  	s7 =	sadd.s32 $0x3200, s0;
	s11 =	smul.u32 $0x50000, s4;
	s31 =	sshll.u32 s4, $0x6  }
0xa: {  	_ =	strace $0x8000004A;
	s9 =	ssub.s32 $0x2, s8;
	s8 =	smul.u32 $0x26200, s8  }
.Ltmp0:
0xb: {  	s29 =	sshrl.u32 s9, $0x1;
	s30 =	sshrl.u32 s10, $0x2;
	(pc) =	sbr.rel .LBB2_1-.Ltmp0, $4  }
0xc: {  	s10 =	smul.u32 $0x9C40, s4;
	s11 =	sshrl.u32 s11, $0x2;
	s0 =	ssub.s32 s9, s29  }
0xd: {  	s14 =	sadd.s32 s30, s3;
	s9 =	sor.u32 $0x1C02, s31;
	s21 =	sadd.s32 s11, s3  }
0xe: {  	s11 =	smul.u32 $0x280, s4;
	s0 =	smax.u32 s0, $0x1;
	s13 =	sor.u32 $0x10, s10  }
0xf: {  	v0 =	vimm.s32 $0x0;
	v1 =	vlaneseq.u32;
	v2 =	vimm.s32 $0x2800;
	s14 =	sshrl.u32 s14, $0x3;
	s21 =	sshrl.u32 s21, $0x3;
	[dreg:$0x5] =	wrdreg s0  }
.LBB2_18:
0x10: {  	s5 =	sadd.s32 $0x1, s5;
	s0 =	rddreg [dreg:$0x5]  }
0x11: {  	p0 =	sne.s32 s5, s0  }
.Ltmp1:
0x12: {  	_ = 	snop;
	(pc) =	sbr.rel @!p0 .LBB2_19-.Ltmp1, $1  }
0x13: {  	_ =	sdelay $0x3  }
.LBB2_1:
.Ltmp2:
0x14: {  	(pc) =	sbr.rel .LBB2_2-.Ltmp2, $2  }
0x15: {  	_ =	sdelay $0x2  }
0x16: {  	s22 =	simm.s32 $0x0  }
.LBB2_16:
0x17: {  	s0 =	sshll.u32 s24, $0x7;
	[sflag:s15] =	ssyncset.done @p0 $0x0  }
0x18: {  	s4 =	sadd.s32 $0x1000, s0;
	[sflag:s15] =	ssyncadd.s32 @p0 $0xFFFFC000  }
0x19: {  	[tilespmem:s19], [sflag:$0x1] =	stream.indirect.gather [hbm4b:s6+s18], $0x80, s4, s18, $0xb8;
	[tilespmem:$0x1D400] =	vst v63  }
0x1a: {  	_ =	swait.ge [sflag:s20], $0x4000  }
0x1b: {  	[sflag:s20] =	ssyncset.done $0x0  }
0x1c: {  	s0 =	sadd.s32 $0x3000, s0;
	[sflag:s20] =	ssyncadd.s32 $0xFFFFC000  }
0x1d: {  	[spmem:s3] =	stream.indirect.scatter.add.f32 [tilespmem:s19], [sflag:$0x2], $0x80, s0, s18, $0xb8;
	[tilespmem:$0x1D400] =	vst v63  }
0x1e: {  	_ =	swait.ge [sflag:s15], $0x4000  }
0x1f: {  	[sflag:s15] =	ssyncset.done $0x0  }
0x20: {  	[sflag:s15] =	ssyncadd.s32 $0xFFFFC000  }
.LBB2_17:
0x21: {  	s0 =	sadd.s32 s11, s23  }
0x22: {  	s22 =	sadd.s32 $0x1, s22;
	s0 =	sshll.u32 s0, $0x4  }
0x23: {  	[bflag:$0x0] =	sbarrier.arrive $0xFFFF;
	p0 =	sne.s32 s22, $0x10;
	s0 =	sadd.s32 s7, s0  }
0x24: {  	[hbm:s0], [sflag:s9] =	dma.local [spmem:s21], $0x2800  }
.Ltmp3:
0x25: {  	_ =	swait.ge [sflag:s15], $0x2800;
	(pc) =	sbr.rel @!p0 .LBB2_18-.Ltmp3, $3  }
0x26: {  	[sflag:s15] =	ssyncset.done $0x0  }
0x27: {  	[sflag:s15] =	ssyncadd.s32 $0xFFFFD800  }
0x28: {  	[bflag:$0x0] =	sbarrier.arrive $0xFFFF;
	_ =	sdelay $0x1  }
.LBB2_2:
0x29: {  	[spmem:s14], [sflag:s9] =	dma.local [hbm:s2], $0x2880  }
0x2a: {  	s0 =	smul.u32 $0x2800, s22  }
.Ltmp4:
0x2b: {  	_ =	swait.ge [sflag:s15], $0x2880;
	(pc) =	sbr.rel .LBB2_3-.Ltmp4, $4  }
0x2c: {  	s26 =	simm.s32 $0x0;
	[sflag:s15] =	ssyncset.done $0x0  }
0x2d: {  	s24 =	simm.s32 $0x0;
	s23 =	sadd.s32 s8, s0;
	[sflag:s15] =	ssyncadd.s32 $0xFFFFD780  }
0x2e: {  	s28 =	smov.u32 s13;
	s0 =	sadd.s32 $0x2800, s23;
	[bflag:$0x0] =	sbarrier.arrive $0xFFFF  }
0x2f: {  	s25 =	simm.s32 $0x0;
	s30 =	simm.s32 $0x0;
	s29 =	simm.s32 $0x0;
	v3 =	vmov s23;
	v4 =	vmov s0  }
.LBB2_9:
0x30: {  	s29 =	sadd.s32 $0x1, s29  }
0x31: {  	p0 =	sne.s32 s29, $0xA  }
.Ltmp5:
0x32: {  	_ = 	snop;
	(pc) =	sbr.rel @!p0 .LBB2_10-.Ltmp5, $2  }
0x33: {  	_ =	sdelay $0x2  }
0x34: {  	s28 =	sadd.s32 $0xFA0, s28  }
.LBB2_3:
0x35: {  	s0 =	smul.u32 $0xFA0, s29;
	_ =	sdelay $0x1  }
0x36: {  	s0 =	sadd.s32 s10, s0  }
0x37: {  	s0 =	sshrl.u32 s0, $0x3  }
0x38: {  	s0 =	sadd.s32 s1, s0  }
0x39: {  	[tilespmem:s26], [sflag:$0x2] =	stream.linear.gather [hbm4b:s0+s26], $0xFA0, $0x38;
	[tilespmem:$0x1D400] =	vst v63  }
0x3a: {  	_ =	swait.ge [sflag:s15], $0xFA0  }
0x3b: {  	[sflag:s15] =	ssyncset.done $0x0  }
0x3c: {  	s4 =	simm.s32 $0x0;
	[sflag:s15] =	ssyncadd.s32 $0xFFFFF060  }
0x3d: {  	v5 =	vld [tilespmem:s4+$0x0];
	_ =	sdelay $0x3  }
0x3e: {  	v8 =	vld [tilespmem:s4+$0x10]  }
0x3f: {  	vm0 =	vge.s32 v5, v3;
	vm1 =	vlt.s32 v5, v4  }
0x40: {  	vm1 =	vmand vm0, vm1  }
0x41: {  	v6 =	vsel vm1, $0x1, v0  }
0x42: {  	(xrf0) =	vadd.scan.msk.s32 $0xffff, v6  }
0x43: {  	vm2 =	vlt.s32 v8, v4;
	vm0 =	vge.s32 v8, v3  }
0x44: {  	vm0 =	vmand vm0, vm2  }
0x45: {  	v6 =	vsel vm0, $0x1, v0  }
0x46: {  	(xrf0) =	vadd.scan.msk.s32 $0xffff, v6  }
0x47: {  	v7 =	vsel vm1, $0xFFFFFFFF, v0;
	v6 =	vmov s30  }
0x48: {  	v7 =	vadd.s32 v7, v6;
	v10, _, _ =	vpop (xrf0)  }
0x49: {  	v9 =	vmpcnt.ones.xlane vm1;
	v7 =	vadd.s32 v10, v7  }
0x4a: {  	v10 =	vand.u32 $0x1FFF, v7  }
0x4b: {  	v11 =	vsel vm0, $0xFFFFFFFF, v0;
	v6 =	vadd.s32 v6, v9  }
0x4c: {  	v9 =	vadd.s32 v11, v6;
	v7, _, _ =	vpop (xrf0)  }
0x4d: {  	s12 =	sadd.s32 $0xFFFFFFF0, s28;
	v7 =	vadd.s32 v7, v9  }
0x4e: {  	v11 =	vor.u32 s12, v1;
	v7 =	vand.u32 $0x1FFF, v7  }
0x4f: {  	v5 =	vsub.s32 v5, v3;
	[tilespmem:v10+s16+$0x0] =	vst.idx.msk vm1, v11  }
0x50: {  	v9 =	vmpcnt.ones.xlane vm0;
	[tilespmem:v10+s17+$0x0] =	vst.idx.msk vm1, v5;
	v5 =	vor.u32 s28, v1;
	_ =	sdelay $0x1  }
0x51: {  	v6 =	vadd.s32 v9, v6  }
0x52: {  	s31 =	simm.s32 $0x80;
	s0 =	simm.s32 $0x100;
	v8 =	vsub.s32 v8, v3;
	s30 =	smov.u32 s28;
	[tilespmem:v7+s16+$0x0] =	vst.idx.msk vm0, v5;
	v5 =	vmov v6  }
.LBB2_4:
0x53: {  	s4 =	sshra.s32 s31, $0x2  }
0x54: {  	[tilespmem:v7+s17+$0x0] =	vst.idx.msk vm0, v8;
	s30 =	sadd.s32 $0x20, s30;
	s31 =	smov.u32 s0;
	s12 =	sadd.s32 $0x80, s0  }
0x55: {  	p0 =	sne.s32 s0, $0x3E00;
	v8 =	vld [tilespmem:s4+$0x0];
	_ =	sdelay $0x1  }
0x56: {  	v9 =	vld [tilespmem:s4+$0x10];
	_ =	sdelay $0x2  }
0x57: {  	vm0 =	vge.s32 v8, v3;
	vm1 =	vlt.s32 v8, v4  }
0x58: {  	vm1 =	vmand vm0, vm1  }
0x59: {  	vm0 =	vge.s32 v9, v3;
	vm2 =	vlt.s32 v9, v4;
	v7 =	vsel vm1, $0x1, v0  }
0x5a: {  	v10 =	vsel vm1, $0xFFFFFFFF, v0;
	v11 =	vmpcnt.ones.xlane vm1;
	vm0 =	vmand vm0, vm2;
	(xrf0) =	vadd.scan.msk.s32 $0xffff, v7  }
0x5b: {  	v7 =	vsel vm0, $0xFFFFFFFF, v0;
	v12 =	vsel vm0, $0x1, v0;
	v13 =	vmpcnt.ones.xlane vm0  }
0x5c: {  	v6 =	vadd.s32 v6, v11;
	(xrf0) =	vadd.scan.msk.s32 $0xffff, v12  }
0x5d: {  	v7 =	vadd.s32 v7, v6;
	v6 =	vadd.s32 v13, v6;
	_ =	sdelay $0x2  }
0x5e: {  	v10 =	vadd.s32 v10, v5;
	v5 =	vmov v6;
	v11, _, _ =	vpop (xrf0)  }
0x5f: {  	v10 =	vadd.s32 v11, v10  }
0x60: {  	v10 =	vand.u32 $0x1FFF, v10;
	v11, _, _ =	vpop (xrf0)  }
0x61: {  	v7 =	vadd.s32 v11, v7  }
0x62: {  	v7 =	vand.u32 $0x1FFF, v7  }
.Ltmp6:
0x63: {  	s0 =	sadd.s32 $0xFFFFFFF0, s30;
	(pc) =	sbr.rel @p0 .LBB2_4-.Ltmp6, $4  }
0x64: {  	v11 =	vor.u32 s0, v1  }
0x65: {  	v8 =	vsub.s32 v8, v3;
	[tilespmem:v10+s16+$0x0] =	vst.idx.msk vm1, v11  }
0x66: {  	[tilespmem:v10+s17+$0x0] =	vst.idx.msk vm1, v8;
	v8 =	vor.u32 s30, v1  }
0x67: {  	s0 =	smov.u32 s12;
	[tilespmem:v7+s16+$0x0] =	vst.idx.msk vm0, v8;
	v8 =	vsub.s32 v9, v3  }
0x68: {  	_ =	sdelay $0x4  }
0x69: {  	s0 =	sshra.s32 s31, $0x2;
	[tilespmem:v7+s17+$0x0] =	vst.idx.msk vm0, v8  }
0x6a: {  	v7 =	vld [tilespmem:s0+$0x0]  }
0x6b: {  	v8 =	vld [tilespmem:s0+$0x10];
	_ =	sdelay $0x3  }
0x6c: {  	vm14 =	vge.s32 v7, v3;
	vm1 =	vlt.s32 v7, v4  }
0x6d: {  	vm15 =	vge.s32 v8, v3;
	vm2 =	vlt.s32 v8, v4;
	vm1 =	vmand vm14, vm1  }
0x6e: {  	vm0 =	vmand vm15, vm2;
	v9 =	vmpcnt.ones.xlane vm1  }
0x6f: {  	v10 =	vmpcnt.ones.xlane vm0  }
0x70: {  	v11 =	vsel vm1, $0x1, v0;
	v6 =	vadd.s32 v6, v9  }
0x71: {  	v56 =	vsel vm0, $0x1, v0;
	(xrf0) =	vadd.scan.msk.s32 $0xffff, v11;
	v10 =	vadd.s32 v10, v6  }
0x72: {  	(xrf0) =	vadd.scan.msk.s32 $0xffff, v56;
	v57 =	vxor.u32 $0x80000000, v10  }
0x73: {  	(xrf0) =	vmax.scan.msk.u32 $0xffff, v57;
	_ =	sdelay $0x3  }
0x74: {  	v58, _, _ =	vpop (xrf0)  }
0x75: {  	v59, _, _ =	vpop (xrf0)  }
0x76: {  	v60, _, _ =	vpop (xrf0)  }
0x77: {  	(v2sf) =	vpush v60, $0xF;
	_ =	sdelay $0x7  }
0x78: {  	v61 =	vsel vm1, $0xFFFFFFFF, v0  }
0x79: {  	v5 =	vadd.s32 v61, v5  }
0x7a: {  	v5 =	vadd.s32 v58, v5  }
0x7b: {  	v5 =	vand.u32 $0x1FFF, v5;
	_ =	sdelay $0x1  }
0x7c: {  	s12 =	sadd.s32 $0x20, s30  }
0x7d: {  	s4 =	sadd.s32 $0xFFFFFFF0, s12;
	v62 =	vsel vm0, $0xFFFFFFFF, v0  }
0x7e: {  	v63 =	vor.u32 s4, v1;
	v6 =	vadd.s32 v62, v6;
	s31 =	spop (v2sf)  }
0x7f: {  	v7 =	vsub.s32 v7, v3;
	v6 =	vadd.s32 v59, v6;
	[tilespmem:v5+s16+$0x0] =	vst.idx.msk vm1, v63;
	s30 =	sxor.u32 $0x80000000, s31  }
0x80: {  	v6 =	vand.u32 $0x1FFF, v6;
	[tilespmem:v5+s17+$0x0] =	vst.idx.msk vm1, v7;
	v5 =	vor.u32 s12, v1;
	s12 =	ssub.s32 s30, s25  }
0x81: {  	p0 =	slt.s32 s12, $0x80  }
.Ltmp7:
0x82: {  	_ = 	snop;
	(pc) =	sbr.rel @p0 .LBB2_9-.Ltmp7, $3  }
0x83: {  	_ =	sdelay $0x1  }
0x84: {  	[tilespmem:v6+s16+$0x0] =	vst.idx.msk vm0, v5;
	v5 =	vsub.s32 v8, v3  }
0x85: {  	[tilespmem:v6+s17+$0x0] =	vst.idx.msk vm0, v5  }
0x86: {  	s25 =	ssub.s32 $0x0, s25  }
.LBB2_7:
0x87: {  	s0 =	sshll.u32 s24, $0x7  }
0x88: {  	s25 =	sadd.s32 $0xFFFFFF80, s25;
	s4 =	sadd.s32 $0x1000, s0  }
0x89: {  	[tilespmem:s19], [sflag:$0x1] =	stream.indirect.gather [hbm4b:s6+s18], $0x80, s4, s18, $0xb8;
	[tilespmem:$0x1D400] =	vst v63  }
0x8a: {  	s12 =	sadd.s32 s25, s30;
	_ =	swait.ge [sflag:s20], $0x4000  }
0x8b: {  	p1 =	sgt.s32 s12, $0x7F;
	[sflag:s20] =	ssyncset.done $0x0  }
.Ltmp8:
0x8c: {  	s0 =	sadd.s32 $0x3000, s0;
	[sflag:s20] =	ssyncadd.s32 $0xFFFFC000;
	(pc) =	sbr.rel @p1 .LBB2_7-.Ltmp8, $4  }
0x8d: {  	[spmem:s3] =	stream.indirect.scatter.add.f32 [tilespmem:s19], [sflag:$0x2], $0x80, s0, s18, $0xb8;
	[tilespmem:$0x1D400] =	vst v63  }
0x8e: {  	s24 =	sadd.s32 $0x1, s24;
	_ =	swait.ge [sflag:s15], $0x4000  }
0x8f: {  	p0 =	seq.s32 s24, $0x40;
	[sflag:s15] =	ssyncset.done $0x0  }
0x90: {  	s24 =	simm.s32 @p0 $0x0;
	[sflag:s15] =	ssyncadd.s32 $0xFFFFC000  }
.Ltmp9:
0x91: {  	(pc) =	sbr.rel .LBB2_9-.Ltmp9, $2  }
0x92: {  	_ =	sdelay $0x2  }
0x93: {  	s25 =	ssub.s32 $0x0, s25  }
.LBB2_10:
0x94: {  	s0 =	ssub.s32 $0x0, s31  }
0x95: {  	s28 =	sadd.s32 $0x80000000, s31;
	s12 =	simm.s32 $0x0;
	s26 =	sand.u32 $0x7F, s0  }
0x96: {  	s4 =	sadd.s32 $0x0, s28;
	v4 =	vor.u32 s12, v1;
	v3 =	vmov s26  }
0x97: {  	v5 =	vadd.s32 s4, v1;
	vm0 =	vlt.u32 v4, v3  }
0x98: {  	s29 =	simm.s32 $0x10;
	v4 =	vand.u32 $0x1FFF, v5;
	vm1 =	vmmov vm0  }
.LBB2_11:
0x99: {  	p0 =	sne.s32 s29, $0x70  }
.Ltmp10:
0x9a: {  	_ = 	snop;
	(pc) =	sbr.rel @p0 .LBB2_11-.Ltmp10, $4  }
0x9b: {  	_ = 	snop  }
0x9c: {  	s0 =	sadd.s32 s29, s28;
	v5 =	vor.u32 s29, v1  }
0x9d: {  	s29 =	sadd.s32 $0x10, s29;
	v6 =	vadd.s32 s0, v1;
	[tilespmem:v4+s16+$0x0] =	vst.idx.msk vm0, v0;
	vm0 =	vlt.u32 v5, v3  }
0x9e: {  	[tilespmem:v4+s17+$0x0] =	vst.idx.msk vm1, v2;
	v4 =	vand.u32 $0x1FFF, v6;
	vm1 =	vmmov vm0  }
0x9f: {  	s0 =	sadd.s32 s30, s26  }
0xa0: {  	s0 =	ssub.s32 s0, s25  }
0xa1: {  	p0 =	slt.s32 s0, $0x80  }
.Ltmp11:
0xa2: {  	_ = 	snop;
	(pc) =	sbr.rel @p0 .LBB2_17-.Ltmp11, $3  }
0xa3: {  	_ =	sdelay $0x1  }
0xa4: {  	[tilespmem:v4+s16+$0x0] =	vst.idx.msk vm0, v0  }
0xa5: {  	[tilespmem:v4+s17+$0x0] =	vst.idx.msk vm1, v2  }
0xa6: {  	s0 =	sadd.s32 s26, s31  }
0xa7: {  	s0 =	ssub.s32 s0, s25  }
0xa8: {  	s0 =	sadd.s32 $0x80000080, s0  }
0xa9: {  	s0 =	sadd.s32 $0xFFFFFF80, s0  }
0xaa: {  	p1 =	sgt.s32 s0, $0xFF  }
.Ltmp12:
0xab: {  	_ = 	snop;
	(pc) =	sbr.rel @!p1 .LBB2_16-.Ltmp12, $2  }
0xac: {  	_ =	sdelay $0x2  }
0xad: {  	p0 =	por $0x0, $0x0  }
0xae: {  	s4 =	sshll.u32 s24, $0x7;
	s25 =	sadd.s32 $0xFFFFFF80, s0  }
0xaf: {  	s12 =	sadd.s32 $0x1000, s4;
	p1 =	sgt.s32 s25, $0xFF  }
0xb0: {  	[tilespmem:s19], [sflag:$0x1] =	stream.indirect.gather [hbm4b:s6+s18], $0x80, s12, s18, $0xb8;
	[tilespmem:$0x1D400] =	vst v63  }
.Ltmp13:
0xb1: {  	_ =	swait.ge [sflag:s20], $0x4000;
	(pc) =	sbr.rel @!p1 .LBB2_16-.Ltmp13, $4  }
0xb2: {  	s24 =	sadd.s32 $0x1, s24;
	[sflag:s20] =	ssyncset.done $0x0  }
0xb3: {  	s31 =	sadd.s32 $0x3000, s4;
	p0 =	seq.s32 s24, $0x40;
	[sflag:s20] =	ssyncadd.s32 $0xFFFFC000  }
0xb4: {  	[spmem:s3] =	stream.indirect.scatter.add.f32 [tilespmem:s19], [sflag:$0x2], $0x80, s31, s18, $0xb8;
	[tilespmem:$0x1D400] =	vst v63  }
0xb5: {  	s24 =	simm.s32 @p0 $0x0;
	p0 =	por $0x1, $0x1;
	_ =	swait.ge [sflag:s15], $0x4000  }
.LBB2_15:
0xb6: {  	s25 =	sadd.s32 $0xFFFFFF80, s25;
	s0 =	sshll.u32 s24, $0x7;
	[sflag:s15] =	ssyncset.done $0x0  }
0xb7: {  	p1 =	sgt.s32 s25, $0xFF;
	s4 =	sadd.s32 $0x1000, s0;
	[sflag:s15] =	ssyncadd.s32 $0xFFFFC000  }
0xb8: {  	[tilespmem:s19], [sflag:$0x1] =	stream.indirect.gather [hbm4b:s6+s18], $0x80, s4, s18, $0xb8;
	[tilespmem:$0x1D400] =	vst v63  }
.Ltmp14:
0xb9: {  	_ =	swait.ge [sflag:s20], $0x4000;
	(pc) =	sbr.rel @p1 .LBB2_15-.Ltmp14, $4  }
0xba: {  	s24 =	sadd.s32 $0x1, s24;
	s0 =	sadd.s32 $0x3000, s0;
	[sflag:s20] =	ssyncset.done $0x0  }
0xbb: {  	p2 =	seq.s32 s24, $0x40;
	[sflag:s20] =	ssyncadd.s32 $0xFFFFC000  }
0xbc: {  	[spmem:s3] =	stream.indirect.scatter.add.f32 [tilespmem:s19], [sflag:$0x2], $0x80, s0, s18, $0xb8;
	[tilespmem:$0x1D400] =	vst v63  }
0xbd: {  	s24 =	simm.s32 @p2 $0x0;
	_ =	swait.ge [sflag:s15], $0x4000  }
.Ltmp15:
0xbe: {  	_ = 	snop;
	(pc) =	sbr.rel .LBB2_16-.Ltmp15, $1  }
0xbf: {  	_ =	sdelay $0x3  }
.LBB2_19:
0xc0: {  	_ =	sfence.sel $0x180000  }
0xc1: {  	[bflag:$0x0] =	sbarrier.arrive $0xFFFF  }
0xc2: {  	_ =	strace $0x9000004A  }
0xc3: {  	s0 =	stileid.u32;
	[bflag:$0x2] =	sbarrier.arrive $0xFFFF  }
0xc4: {  	p0 =	sne.s32 s0, $0x0;
	s0 =	rddreg [dreg:$0x4]  }
0xc5: {  	s0 =	sadd.s32 @!p0 $0x100000, s0  }
0xc6: {  	[sflag:s0] =	ssyncadd.tile.s32 @!p0 $0x1;
	_ =	shalt  }
.Lfunc_end2:
_tile_overlayer_lowered:
.L_overlay_start_2:
0xc7: {  	(tag) =	ssettag $0x2  }
0xc8: {  	s0 =	rddreg [dreg:$0x0];
	s2 =	stileid.u32  }
0xc9: {  	s1 =	rddreg [dreg:$0x1];
	p0 =	sne.s32 s2, $0x0  }
0xca: {  	s3 =	rddreg [dreg:$0x2];
	[bflag:$0x3] =	sbarrier.arrive $0xFFFF;
	s2 =	simm.s32 @!p0 $0x1C02  }
0xcb: {  	[timem:s3], [sflag:s2] =	dma.local @!p0 [hbm:s0], s1  }
0xcc: {  	s0 =	simm.s32 @!p0 $0x2  }
0xcd: {  	_ =	swait.ge @!p0 [sflag:s0], s1  }
0xce: {  	s1 =	ssub.s32 @!p0 $0x0, s1;
	[sflag:s0] =	ssyncset.done @!p0 $0x0  }
0xcf: {  	[sflag:s0] =	ssyncadd.s32 @!p0 s1  }
0xd0: {  	[bflag:$0x3] =	sbarrier.arrive $0xFFFF  }
0xd1: {  	_ =	shalt  }

// kernel: kernel.7.cloned.1.call-start
scs
__scs_entry_jumppad:
0x0: {  	(pc) =	sbr.rel $0x88, $3  }
0x1: {  	(tag) =	ssettag $0x0;
	lr =	simm.s32 $0x1  }
0x2: {  	[smem:$0x3F87] =	sst lr;
	_ =	strace $0xD0000000  }
0x3: {  	_ = 	snop  }
0x4: {  	_ = 	snop  }
0x5: {  	_ = 	snop  }
0x6: {  	_ = 	snop  }
0x7: {  	_ = 	snop  }
__scs_overlays_trampoline_lowered:
0x8: {  	[smem:$0x3F96] =	sst s0  }
0x9: {  	[smem:$0x3F97] =	sst s1  }
0xa: {  	[smem:$0x3F98] =	sst s2  }
0xb: {  	[smem:$0x3F99] =	sst s3  }
0xc: {  	[smem:$0x3F9A] =	sst s4  }
0xd: {  	[smem:$0x3F9B] =	sst s5  }
0xe: {  	[smem:$0x3F9C] =	sst s6  }
0xf: {  	[smem:$0x3F9D] =	sst s7  }
0x10: {  	[smem:$0x3F9E] =	sst s8  }
0x11: {  	[smem:$0x3F9F] =	sst s9;
	s0 =	simm.s32 @!p0 $0x0  }
0x12: {  	s1 =	sld [smem:$0x3F85];
	s0 =	simm.s32 @p0 $0x1  }
0x13: {  	[smem:$0x3FA0] =	sst s0;
	s0 =	simm.s32 @!p1 $0x0  }
0x14: {  	s2 =	sld [smem:$0x3F84];
	s0 =	simm.s32 @p1 $0x1  }
0x15: {  	[smem:$0x3FA1] =	sst s0;
	s0 =	simm.s32 @!p2 $0x0  }
0x16: {  	s3 =	sld [smem:$0x3FDB];
	s0 =	simm.s32 @p2 $0x1  }
0x17: {  	s4 =	simm.s32 $0x1BF5;
	[smem:$0x3FA3] =	sst s0  }
0x18: {  	s0 =	sld [smem:$0x3F86];
	_ =	swait.ge [sflag:s4], $0x0  }
0x19: {  	s7 =	sld [smem:$0x3F87]  }
0x1a: {  	s8 =	sadd.s32 $0xFFFFE003, lr  }
0x1b: {  	s9 =	sadd.s32 $0xFFFFFEF7, lr;
	s5 =	simm.s32 $0xFFFFFFFF;
	p2 =	slt.u32 s8, $0xFFFFF086  }
0x1c: {  	p1 =	slt.u32 s9, $0xF7A;
	s5 =	simm.s32 @!p2 $0x0  }
0x1d: {  	s5 =	simm.s32 @p1 $0x1;
	p0 =	seq.s32 s7, s2  }
0x1e: {  	s7 =	smul.u32 @!p0 $0xF7A, s2;
	p2 =	seq.s32 @!p0 s5, $0x0  }
0x1f: {  	s9 =	smul.u32 $0xF7A, s1;
	s8 =	simm.s32 @!p0 $0x1BF5;
	p2 =	por !p2, p0  }
0x20: {  	[sflag:s8] =	ssyncset.s32 @!p0 $0xFFFFF086;
	s6 =	sadd.s32 @!p0 s3, s7;
	s7 =	simm.s32 @!p0 $0x108  }
0x21: {  	s3 =	sadd.s32 s3, s9;
	s6 =	sadd.s32 @!p0 $0x88, s6;
	s7 =	simm.s32 @p2 $0x1082  }
0x22: {  	[simem:s7], [sflag:s8] =	dma.local @!p0 [hbm:s6], $0xF7A  }
0x23: {  	s9 =	sor.u32 $0xD0000000, s2;
	s6 =	simm.s32 $0x108;
	_ =	swait.ge @!p0 [sflag:s8], $0x0  }
0x24: {  	s3 =	sadd.s32 $0x88, s3;
	s6 =	simm.s32 @!p1 $0x1082;
	[sflag:s4] =	ssyncset.s32 $0xFFFFF086  }
0x25: {  	[simem:s6], [sflag:s4] =	dma.local [hbm:s3], $0xF7A  }
0x26: {  	[smem:$0x3F87] =	sst s1;
	(tag) =	ssettag s2;
	_ =	strace s9  }
0x27: {  	s1 =	sld [smem:$0x3F97]  }
0x28: {  	s2 =	sld [smem:$0x3F98]  }
0x29: {  	s4 =	sld [smem:$0x3F9A]  }
0x2a: {  	p0 =	seq.s32 s5, $0x0;
	s5 =	sld [smem:$0x3F9B]  }
0x2b: {  	s6 =	sld [smem:$0x3F9C]  }
0x2c: {  	s7 =	sld [smem:$0x3F9D]  }
0x2d: {  	s3 =	simm.s32 $0x108;
	s8 =	sld [smem:$0x3F9E]  }
0x2e: {  	s3 =	simm.s32 @!p0 $0x1082;
	s9 =	sld [smem:$0x3F9F]  }
0x2f: {  	lr =	sadd.s32 s0, s3;
	s0 =	sld [smem:$0x3F96]  }
0x30: {  	s3 =	sld [smem:$0x3F99]  }
0x31: {  	[smem:$0x3FA2] =	sst s10  }
0x32: {  	s10 =	sld [smem:$0x3FA0];
	_ =	sdelay $0x3  }
0x33: {  	p0 =	seq.s32 s10, $0x1;
	s10 =	sld [smem:$0x3FA2];
	_ =	sdelay $0x3  }
0x34: {  	[smem:$0x3FA2] =	sst s10  }
0x35: {  	s10 =	sld [smem:$0x3FA1];
	_ =	sdelay $0x3  }
0x36: {  	p1 =	seq.s32 s10, $0x1;
	s10 =	sld [smem:$0x3FA2];
	_ =	sdelay $0x3  }
0x37: {  	[smem:$0x3FA2] =	sst s10  }
0x38: {  	s10 =	sld [smem:$0x3FA3]  }
0x39: {  	_ = 	snop;
	(pc) =	sbr.ind lr, $3  }
0x3a: {  	_ = 	snop  }
0x3b: {  	_ = 	snop  }
0x3c: {  	p2 =	seq.s32 s10, $0x1;
	s10 =	sld [smem:$0x3FA2]  }
0x3d: {  	_ =	shalt  }
0x3e: {  	_ =	shalt  }
0x3f: {  	_ =	shalt  }
0x40: {  	_ =	shalt  }
0x41: {  	_ =	shalt  }
0x42: {  	_ =	shalt  }
0x43: {  	_ =	shalt  }
0x44: {  	_ =	shalt  }
0x45: {  	_ =	shalt  }
0x46: {  	_ =	shalt  }
0x47: {  	_ =	shalt  }
0x48: {  	_ =	shalt  }
0x49: {  	_ =	shalt  }
0x4a: {  	_ =	shalt  }
0x4b: {  	_ =	shalt  }
0x4c: {  	_ =	shalt  }
0x4d: {  	_ =	shalt  }
0x4e: {  	_ =	shalt  }
0x4f: {  	_ =	shalt  }
0x50: {  	_ =	shalt  }
0x51: {  	_ =	shalt  }
0x52: {  	_ =	shalt  }
0x53: {  	_ =	shalt  }
0x54: {  	_ =	shalt  }
0x55: {  	_ =	shalt  }
0x56: {  	_ =	shalt  }
0x57: {  	_ =	shalt  }
0x58: {  	_ =	shalt  }
0x59: {  	_ =	shalt  }
0x5a: {  	_ =	shalt  }
0x5b: {  	_ =	shalt  }
0x5c: {  	_ =	shalt  }
0x5d: {  	_ =	shalt  }
0x5e: {  	_ =	shalt  }
0x5f: {  	_ =	shalt  }
0x60: {  	_ =	shalt  }
0x61: {  	_ =	shalt  }
0x62: {  	_ =	shalt  }
0x63: {  	_ =	shalt  }
0x64: {  	_ =	shalt  }
0x65: {  	_ =	shalt  }
0x66: {  	_ =	shalt  }
0x67: {  	_ =	shalt  }
0x68: {  	_ =	shalt  }
0x69: {  	_ =	shalt  }
0x6a: {  	_ =	shalt  }
0x6b: {  	_ =	shalt  }
0x6c: {  	_ =	shalt  }
0x6d: {  	_ =	shalt  }
0x6e: {  	_ =	shalt  }
0x6f: {  	_ =	shalt  }
0x70: {  	_ =	shalt  }
0x71: {  	_ =	shalt  }
0x72: {  	_ =	shalt  }
0x73: {  	_ =	shalt  }
0x74: {  	_ =	shalt  }
0x75: {  	_ =	shalt  }
0x76: {  	_ =	shalt  }
0x77: {  	_ =	shalt  }
0x78: {  	_ =	shalt  }
0x79: {  	_ =	shalt  }
0x7a: {  	_ =	shalt  }
0x7b: {  	_ =	shalt  }
0x7c: {  	_ =	shalt  }
0x7d: {  	_ =	shalt  }
0x7e: {  	_ =	shalt  }
0x7f: {  	_ =	shalt  }
0x80: {  	_ =	shalt  }
0x81: {  	_ =	shalt  }
0x82: {  	_ =	shalt  }
0x83: {  	_ =	shalt  }
0x84: {  	_ =	shalt  }
0x85: {  	_ =	shalt  }
0x86: {  	_ =	shalt  }
0x87: {  	_ =	shalt  }
.Lfunc_end0:
.L_simem_size_0:
called_computation_lowered:
.L_overlay_start_0:
0x88: {  	s2 =	sld [smem:$0x3FD9]  }
0x89: {  	s3 =	sld [smem:$0x3FFE];
	_ =	sdelay $0x1  }
0x8a: {  	s1 =	srdreg.scid  }
0x8b: {  	s0 =	sand.u32 $0x1, s1  }
0x8c: {  	s17 =	sshll.u32 s0, $0xA;
	s2 =	sadd.s32 s3, s2  }
0x8d: {  	s2 =	sadd.s32 s2, s17  }
0x8e: {  	[smem:$0x3FAE] =	sst s2  }
0x8f: {  	_ = 	snop  }
0x90: {  	s2 =	sld [smem:$0x3FC6];
	(tm) =	ssettm $0x1  }
0x91: {  	s18 =	sld [smem:$0x3FFB];
	_ =	sdelay $0x3  }
0x92: {  	_ =	strace s18  }
0x93: {  	s3 =	sld [smem:$0x3FFC];
	_ =	sdelay $0x3  }
0x94: {  	_ =	strace s3  }
0x95: {  	s3 =	sld [smem:$0x3FFD];
	_ =	sdelay $0x3  }
0x96: {  	_ =	strace s3  }
0x97: {  	_ =	strace $0x8FFFFFFF  }
0x98: {  	s19 =	sld [smem:$0x3FDB];
	_ =	sdelay $0x1  }
0x99: {  	s4 =	simm.s32 $_scs_section_size  }
0x9a: {  	s5 =	simm.s32 $_size__tile_overlayer_lowered;
	s6 =	simm.s32 $_tile_overlayer_lowered  }
0x9b: {  	s22 =	simm.s32 $0x1BFF;
	s21 =	sshll.u32 s6, $0x1;
	s3 =	sadd.s32 s4, s19  }
0x9c: {  	s7 =	simm.s32 $0x0;
	s20 =	sshll.u32 s5, $0x1;
	s5 =	sadd.s32 s21, s3  }
0x9d: {  	[timem:s7], [sflag:s22] =	dma.local [hbm:s5], s20  }
0x9e: {  	_ =	swait.ge [sflag:s22], s20  }
0x9f: {  	s4 =	ssub.s32 $0x0, s20;
	[sflag:s22] =	ssyncset.done $0x0  }
0xa0: {  	[sflag:s22] =	ssyncadd.s32 s4;
	_ =	sdelay $0x1  }
0xa1: {  	s23 =	simm.s32 $0x1B8B  }
0xa2: {  	_ =	swait.ge [sflag:s23], $0x1  }
0xa3: {  	[sflag:s23] =	ssyncset.done $0x0  }
0xa4: {  	s25 =	simm.s32 $0x1B8E;
	s24 =	sld [smem:$0x3FFE];
	[sflag:s23] =	ssyncadd.s32 $0xFFFFFFFF  }
0xa5: {  	s26 =	simm.s32 $execute0_lowered;
	[smem:$0x3FD2] =	sst s25  }
0xa6: {  	s5 =	sshll.u32 s26, $0x1;
	_ =	strace $0x80000046;
	[dreg:$0x1] =	wrdreg $0xFFFFFFFF  }
0xa7: {  	s28 =	simm.s32 $_size_execute0_lowered;
	s3 =	sadd.s32 s3, s5;
	[dreg:$0x0] =	wrdreg $0x0  }
0xa8: {  	s5 =	sshll.u32 s28, $0x1;
	[dreg:$0x2] =	wrdreg s3  }
0xa9: {  	[dreg:$0x3] =	wrdreg s5  }
0xaa: {  	[dreg:$0x4] =	wrdreg $0xC0  }
0xab: {  	_ =	task [dreg:s7], $0x5FFFF  }
0xac: {  	[dreg:$0x1] =	wrdreg $0xFFFFFFFF  }
0xad: {  	[dreg:$0x0] =	wrdreg $0x60  }
0xae: {  	[dreg:$0x2] =	wrdreg s24  }
0xaf: {  	[dreg:$0x3] =	wrdreg s2  }
0xb0: {  	[dreg:$0x4] =	wrdreg $0x9  }
0xb1: {  	_ =	task.clear_ibuf [dreg:s7], $0x5FFFF;
	_ =	strace $0x90000046  }
0xb2: {  	s29 =	simm.s32 $0x9;
	_ =	strace $0x80000048  }
0xb3: {  	_ =	swait.ge [sflag:s29], $0x1  }
0xb4: {  	[sflag:s29] =	ssyncadd.s32 $0xFFFFFFFF  }
0xb5: {  	_ =	strace $0x90000048  }
0xb6: {  	_ =	sfence  }
0xb7: {  	s30 =	sld [smem:$0x0];
	_ =	sdelay $0x2  }
0xb8: {  	s31 =	sshll.u32 s1, $0xD;
	s1 =	sshrl.u32 s1, $0x2  }
0xb9: {  	s3 =	sand.u32 $0x4000, s31;
	s1 =	sadd.s32 s1, s30  }
0xba: {  	s0 =	sor.u32 s3, s0;
	s1 =	sshll.u32 s1, $0x11  }
0xbb: {  	s0 =	sor.u32 s1, s0  }
0xbc: {  	s0 =	sadd.s32 $0x8F2B, s0  }
0xbd: {  	[sflag:s0] =	ssyncadd.remote.s32 $0x1  }
0xbe: {  	_ =	sfence.sel $0xFFFF  }
0xbf: {  	[dreg:$0x0] =	wrdreg $0xFFFFFFFF;
	(pc) =	sbr.abs _section_cstart, $3  }
0xc0: {  	[dreg:$0x1] =	wrdreg $0xFFFFFFFF  }
0xc1: {  	_ =	task.clear_ibuf [dreg:s7], $0x2FFFF;
	_ =	strace $0x9FFFFFFF  }
0xc2: {  	(tm) =	ssettm $0x7FFFFFFF  }
0xc3: {  	_ =	shalt  }
tec
execute0_lowered:
.L_overlay_start_1:
0x0: {  	(tag) =	ssettag $0x1  }
0x1: {  	s0 =	rddreg [dreg:$0x0]  }
0x2: {  	s4 =	rddreg [dreg:$0x1];
	s1 =	simm.s32 $0x0;
	s2 =	srdreg.scid  }
0x3: {  	s5 =	stileid.u32;
	s28 =	simm.s32 $0x5000;
	s29 =	simm.s32 $0x1  }
0x4: {  	s30 =	simm.s32 $0x9000;
	s31 =	simm.s32 $0x2;
	[smem:$0x7FF] =	sst s1  }
0x5: {  	s3 =	sand.u32 $0x1, s2;
	s2 =	sadd.s32 $0x3200, s0;
	s7 =	smul.u32 $0xA00, s5  }
0x6: {  	s8 =	sadd.s32 $0x4E5200, s0;
	s10 =	smul.u32 $0x280000, s5;
	s13 =	sadd.s32 $0x13800, s4  }
0x7: {  	s15 =	sadd.s32 $0xEA5200, s0;
	_ =	strace $0x80000047;
	[dreg:$0x3] =	wrdreg s13  }
0x8: {  	s12 =	smul.u32 $0x4C00, s5;
	s18 =	sadd.s32 $0xEA6200, s0;
	[dreg:$0x4] =	wrdreg s15  }
0x9: {  	s19 =	sadd.s32 $0xEA6A00, s0;
	s20 =	sadd.s32 $0xEA7200, s0;
	[dreg:$0x6] =	wrdreg s18  }
0xa: {  	s21 =	sadd.s32 $0xEA7A00, s0;
	s24 =	smul.u32 $0x50000, s5;
	[dreg:$0x7] =	wrdreg s19  }
0xb: {  	s22 =	sadd.s32 $0xEA8200, s0;
	s25 =	smul.u32 $0x4C000, s5;
	[dreg:$0x8] =	wrdreg s20  }
0xc: {  	p1 =	sne.s32 s5, $0x0;
	s5 =	simm.s32 $0x4;
	[dreg:$0x9] =	wrdreg s21  }
0xd: {  	s6 =	ssub.s32 $0x2, s3;
	p0 =	seq.s32 s3, $0x1;
	[dreg:$0xa] =	wrdreg s22  }
0xe: {  	s9 =	sshrl.u32 s6, $0x1;
	s3 =	sadd.s32 s4, s7;
	s16 =	sadd.s32 $0x50000, s12  }
0xf: {  	s14 =	sshrl.u32 s10, $0x3;
	s12 =	sadd.s32 $0xEA5A00, s0;
	s0 =	sadd.s32 $0xEA8A00, s0  }
0x10: {  	s26 =	sadd.s32 s24, s8;
	s10 =	simm.s32 $0x4F80;
	s11 =	ssub.s32 s6, s9  }
0x11: {  	s6 =	sadd.s32 s8, s14;
	s17 =	sshrl.u32 s16, $0x3;
	[dreg:$0x5] =	wrdreg s12  }
0x12: {  	s23 =	sshll.u32 s16, $0x4;
	[dreg:$0xb] =	wrdreg s0;
	s0 =	sadd.s32 s25, s8  }
0x13: {  	s25 =	simm.s32 $0x5;
	s7 =	sadd.s32 $0x800, s6;
	s9 =	sadd.s32 s4, s17  }
.Ltmp0:
0x14: {  	s12 =	smax.u32 s11, $0x1;
	s17 =	sadd.s32 s8, s23;
	(pc) =	sbr.rel .LBB2_1-.Ltmp0, $4  }
0x15: {  	s19 =	sadd.s32 $0x4F000, s6;
	s20 =	sadd.s32 $0x4F800, s6;
	s23 =	sadd.s32 $0x1000, s26  }
0x16: {  	s24 =	sadd.s32 $0x501000, s0;
	s26 =	simm.s32 $0x80;
	s0 =	simm.s32 $0x3  }
0x17: {  	s4 =	simm.s32 $0x100;
	s8 =	simm.s32 $0x4B80;
	s11 =	simm.s32 $0x0  }
0x18: {  	s18 =	sadd.s32 $0x800, s17;
	s21 =	sadd.s32 $0x4B000, s17;
	s22 =	sadd.s32 $0x4B800, s17  }
.LBB2_8:
0x19: {  	[tilespmem:s28], [sflag:$0x1] =	stream.indirect.gather [hbm4b:s2+s26], $0x80, s15, s26, $0xb8;
	[tilespmem:$0xD000] =	vst v63  }
0x1a: {  	_ =	swait.ge [sflag:s29], $0x4000  }
0x1b: {  	[sflag:s29] =	ssyncset.done $0x0  }
0x1c: {  	[sflag:s29] =	ssyncadd.s32 $0xFFFFC000  }
0x1d: {  	[hbm4b:s21+s1] =	stream.linear.scatter [tilespmem:s28], [sflag:$0x3], $0x4000, $0x38;
	[tilespmem:$0xD000] =	vst v63  }
0x1e: {  	_ =	swait.ge [sflag:s5], $0x4000  }
0x1f: {  	[sflag:s5] =	ssyncset.done $0x0  }
0x20: {  	[sflag:s5] =	ssyncadd.s32 $0xFFFFC000  }
0x21: {  	[tilespmem:s30], [sflag:$0x2] =	stream.indirect.gather [hbm4b:s2+s26], $0x80, s8, s26, $0xb8;
	[tilespmem:$0xD000] =	vst v63  }
0x22: {  	_ =	swait.ge [sflag:s31], $0x4000  }
0x23: {  	[sflag:s31] =	ssyncset.done $0x0  }
0x24: {  	[sflag:s31] =	ssyncadd.s32 $0xFFFFC000  }
0x25: {  	[hbm4b:s22+s1] =	stream.linear.scatter [tilespmem:s30], [sflag:$0x4], $0x4000, $0x38;
	[tilespmem:$0xD000] =	vst v63  }
.LBB2_9:
0x26: {  	_ =	swait.ge [sflag:s5], $0x4000  }
0x27: {  	[sflag:s5] =	ssyncset.done $0x0  }
0x28: {  	[sflag:s5] =	ssyncadd.s32 $0xFFFFC000  }
.LBB2_10:
0x29: {  	s11 =	sadd.s32 $0x1, s11  }
0x2a: {  	p2 =	sne.s32 s11, s12  }
.Ltmp1:
0x2b: {  	_ = 	snop;
	(pc) =	sbr.rel @!p2 .LBB2_11-.Ltmp1, $1  }
0x2c: {  	_ =	sdelay $0x3  }
.LBB2_1:
.Ltmp2:
0x2d: {  	(pc) =	sbr.rel @!p0 .LBB2_2-.Ltmp2, $1  }
0x2e: {  	_ =	sdelay $0x3  }
0x2f: {  	[tilespmem:s1], [sflag:$0x5] =	stream.linear.gather [hbm4b:s9+s1], $0x4C00, $0x38;
	[tilespmem:$0xD000] =	vst v63  }
0x30: {  	_ =	swait.ge [sflag:s25], $0x4C00  }
0x31: {  	[sflag:s25] =	ssyncset.done $0x0  }
0x32: {  	[sflag:s25] =	ssyncadd.s32 $0xFFFFB400  }
0x33: {  	[tilespmem:s28], [sflag:$0x1] =	stream.indirect.gather [hbm4b:s2+s26], $0x80, s1, s26, $0xb8;
	[tilespmem:$0xD000] =	vst v63  }
0x34: {  	_ =	swait.ge [sflag:s29], $0x4000  }
0x35: {  	[sflag:s29] =	ssyncset.done $0x0  }
0x36: {  	[sflag:s29] =	ssyncadd.s32 $0xFFFFC000  }
0x37: {  	[hbm4b:s17+s1] =	stream.linear.scatter [tilespmem:s28], [sflag:$0x3], $0x4000, $0x38;
	[tilespmem:$0xD000] =	vst v63  }
0x38: {  	_ = 	snop  }
0x39: {  	[tilespmem:s30], [sflag:$0x2] =	stream.indirect.gather [hbm4b:s2+s26], $0x80, s26, s26, $0xb8;
	[tilespmem:$0xD000] =	vst v63  }
0x3a: {  	_ =	swait.ge [sflag:s31], $0x4000  }
0x3b: {  	[sflag:s31] =	ssyncset.done $0x0  }
0x3c: {  	[sflag:s31] =	ssyncadd.s32 $0xFFFFC000  }
0x3d: {  	[hbm4b:s18+s1] =	stream.linear.scatter [tilespmem:s30], [sflag:$0x4], $0x4000, $0x38;
	[tilespmem:$0xD000] =	vst v63  }
0x3e: {  	_ =	swait.ge [sflag:s0], $0x4000  }
0x3f: {  	[sflag:s0] =	ssyncset.done $0x0  }
0x40: {  	[sflag:s0] =	ssyncadd.s32 $0xFFFFC000  }
0x41: {  	[tilespmem:s28], [sflag:$0x1] =	stream.indirect.gather [hbm4b:s2+s26], $0x80, s4, s26, $0xb8;
	[tilespmem:$0xD000] =	vst v63  }
0x42: {  	_ =	swait.ge [sflag:s29], $0x4000  }
0x43: {  	[sflag:s29] =	ssyncset.done $0x0  }
0x44: {  	[sflag:s29] =	ssyncadd.s32 $0xFFFFC000  }
0x45: {  	[hbm4b:s24+s1] =	stream.linear.scatter [tilespmem:s28], [sflag:$0x3], $0x4000, $0x38;
	[tilespmem:$0xD000] =	vst v63  }
0x46: {  	_ =	swait.ge [sflag:s5], $0x4000  }
0x47: {  	[sflag:s5] =	ssyncset.done $0x0  }
0x48: {  	s13 =	simm.s32 $0x180;
	[sflag:s5] =	ssyncadd.s32 $0xFFFFC000  }
0x49: {  	[tilespmem:s30], [sflag:$0x2] =	stream.indirect.gather [hbm4b:s2+s26], $0x80, s13, s26, $0xb8;
	[tilespmem:$0xD000] =	vst v63  }
0x4a: {  	_ =	swait.ge [sflag:s31], $0x4000  }
0x4b: {  	[sflag:s31] =	ssyncset.done $0x0  }
0x4c: {  	s16 =	sadd.s32 $0x800, s24;
	[sflag:s31] =	ssyncadd.s32 $0xFFFFC000  }
0x4d: {  	[hbm4b:s16+s1] =	stream.linear.scatter [tilespmem:s30], [sflag:$0x4], $0x4000, $0x38;
	[tilespmem:$0xD000] =	vst v63  }
0x4e: {  	_ =	swait.ge [sflag:s0], $0x4000  }
0x4f: {  	s15 =	simm.s32 $0x200;
	[sflag:s0] =	ssyncset.done $0x0  }
0x50: {  	s14 =	sadd.s32 $0x1000, s24;
	s13 =	simm.s32 $0xFFFEDC00;
	[sflag:s0] =	ssyncadd.s32 $0xFFFFC000  }
.LBB2_7:
0x51: {  	[tilespmem:s28], [sflag:$0x1] =	stream.indirect.gather [hbm4b:s2+s26], $0x80, s15, s26, $0xb8;
	[tilespmem:$0xD000] =	vst v63  }
0x52: {  	s15 =	smov.u32 s13  }
0x53: {  	p2 =	sne.s32 s13, $0xFFFFFC00;
	s13 =	sadd.s32 $0x400, s13;
	_ =	swait.ge [sflag:s29], $0x4000  }
0x54: {  	[sflag:s29] =	ssyncset.done $0x0  }
0x55: {  	[sflag:s29] =	ssyncadd.s32 $0xFFFFC000  }
0x56: {  	[hbm4b:s14+s1] =	stream.linear.scatter [tilespmem:s28], [sflag:$0x3], $0x4000, $0x38;
	[tilespmem:$0xD000] =	vst v63  }
0x57: {  	_ =	swait.ge [sflag:s5], $0x4000  }
0x58: {  	s15 =	sshra.s32 s15, $0x2;
	[sflag:s5] =	ssyncset.done $0x0  }
0x59: {  	s16 =	sadd.s32 $0x4B80, s15;
	[sflag:s5] =	ssyncadd.s32 $0xFFFFC000  }
0x5a: {  	[tilespmem:s30], [sflag:$0x2] =	stream.indirect.gather [hbm4b:s2+s26], $0x80, s16, s26, $0xb8;
	[tilespmem:$0xD000] =	vst v63  }
0x5b: {  	_ =	swait.ge [sflag:s31], $0x4000  }
0x5c: {  	[sflag:s31] =	ssyncset.done $0x0  }
.Ltmp3:
0x5d: {  	s16 =	sadd.s32 $0x800, s14;
	[sflag:s31] =	ssyncadd.s32 $0xFFFFC000;
	(pc) =	sbr.rel @p2 .LBB2_7-.Ltmp3, $4  }
0x5e: {  	[hbm4b:s16+s1] =	stream.linear.scatter [tilespmem:s30], [sflag:$0x4], $0x4000, $0x38;
	[tilespmem:$0xD000] =	vst v63  }
0x5f: {  	_ =	swait.ge [sflag:s0], $0x4000  }
0x60: {  	[sflag:s0] =	ssyncset.done $0x0  }
0x61: {  	s15 =	sadd.s32 $0x4C00, s15;
	s14 =	sadd.s32 $0x1000, s14;
	[sflag:s0] =	ssyncadd.s32 $0xFFFFC000  }
.Ltmp4:
0x62: {  	_ = 	snop;
	(pc) =	sbr.rel .LBB2_8-.Ltmp4, $1  }
0x63: {  	_ =	sdelay $0x3  }
.LBB2_2:
0x64: {  	[tilespmem:s1], [sflag:$0x5] =	stream.linear.gather [hbm4b:s3+s1], $0x5000, $0x38;
	[tilespmem:$0xD000] =	vst v63  }
0x65: {  	_ =	swait.ge [sflag:s25], $0x5000  }
0x66: {  	[sflag:s25] =	ssyncset.done $0x0  }
0x67: {  	[sflag:s25] =	ssyncadd.s32 $0xFFFFB000  }
0x68: {  	[tilespmem:s28], [sflag:$0x1] =	stream.indirect.gather [hbm4b:s2+s26], $0x80, s1, s26, $0xb8;
	[tilespmem:$0xD000] =	vst v63  }
0x69: {  	_ =	swait.ge [sflag:s29], $0x4000  }
0x6a: {  	[sflag:s29] =	ssyncset.done $0x0  }
0x6b: {  	[sflag:s29] =	ssyncadd.s32 $0xFFFFC000  }
0x6c: {  	[hbm4b:s6+s1] =	stream.linear.scatter [tilespmem:s28], [sflag:$0x3], $0x4000, $0x38;
	[tilespmem:$0xD000] =	vst v63  }
0x6d: {  	_ = 	snop  }
0x6e: {  	[tilespmem:s30], [sflag:$0x2] =	stream.indirect.gather [hbm4b:s2+s26], $0x80, s26, s26, $0xb8;
	[tilespmem:$0xD000] =	vst v63  }
0x6f: {  	_ =	swait.ge [sflag:s31], $0x4000  }
0x70: {  	[sflag:s31] =	ssyncset.done $0x0  }
0x71: {  	[sflag:s31] =	ssyncadd.s32 $0xFFFFC000  }
0x72: {  	[hbm4b:s7+s1] =	stream.linear.scatter [tilespmem:s30], [sflag:$0x4], $0x4000, $0x38;
	[tilespmem:$0xD000] =	vst v63  }
0x73: {  	_ =	swait.ge [sflag:s0], $0x4000  }
0x74: {  	[sflag:s0] =	ssyncset.done $0x0  }
0x75: {  	[sflag:s0] =	ssyncadd.s32 $0xFFFFC000  }
0x76: {  	[tilespmem:s28], [sflag:$0x1] =	stream.indirect.gather [hbm4b:s2+s26], $0x80, s4, s26, $0xb8;
	[tilespmem:$0xD000] =	vst v63  }
0x77: {  	_ =	swait.ge [sflag:s29], $0x4000  }
0x78: {  	[sflag:s29] =	ssyncset.done $0x0  }
0x79: {  	[sflag:s29] =	ssyncadd.s32 $0xFFFFC000  }
0x7a: {  	[hbm4b:s23+s1] =	stream.linear.scatter [tilespmem:s28], [sflag:$0x3], $0x4000, $0x38;
	[tilespmem:$0xD000] =	vst v63  }
0x7b: {  	_ =	swait.ge [sflag:s5], $0x4000  }
0x7c: {  	[sflag:s5] =	ssyncset.done $0x0  }
0x7d: {  	s13 =	simm.s32 $0x180;
	[sflag:s5] =	ssyncadd.s32 $0xFFFFC000  }
0x7e: {  	[tilespmem:s30], [sflag:$0x2] =	stream.indirect.gather [hbm4b:s2+s26], $0x80, s13, s26, $0xb8;
	[tilespmem:$0xD000] =	vst v63  }
0x7f: {  	_ =	swait.ge [sflag:s31], $0x4000  }
0x80: {  	[sflag:s31] =	ssyncset.done $0x0  }
0x81: {  	s16 =	sadd.s32 $0x800, s23;
	[sflag:s31] =	ssyncadd.s32 $0xFFFFC000  }
0x82: {  	[hbm4b:s16+s1] =	stream.linear.scatter [tilespmem:s30], [sflag:$0x4], $0x4000, $0x38;
	[tilespmem:$0xD000] =	vst v63  }
0x83: {  	_ =	swait.ge [sflag:s0], $0x4000  }
0x84: {  	s15 =	simm.s32 $0x200;
	[sflag:s0] =	ssyncset.done $0x0  }
0x85: {  	s14 =	sadd.s32 $0x1000, s23;
	s13 =	simm.s32 $0xFFFECC00;
	[sflag:s0] =	ssyncadd.s32 $0xFFFFC000  }
.LBB2_3:
0x86: {  	[tilespmem:s28], [sflag:$0x1] =	stream.indirect.gather [hbm4b:s2+s26], $0x80, s15, s26, $0xb8;
	[tilespmem:$0xD000] =	vst v63  }
0x87: {  	s15 =	smov.u32 s13  }
0x88: {  	p2 =	sne.s32 s13, $0xFFFFFC00;
	s13 =	sadd.s32 $0x400, s13;
	_ =	swait.ge [sflag:s29], $0x4000  }
0x89: {  	[sflag:s29] =	ssyncset.done $0x0  }
0x8a: {  	[sflag:s29] =	ssyncadd.s32 $0xFFFFC000  }
0x8b: {  	[hbm4b:s14+s1] =	stream.linear.scatter [tilespmem:s28], [sflag:$0x3], $0x4000, $0x38;
	[tilespmem:$0xD000] =	vst v63  }
0x8c: {  	_ =	swait.ge [sflag:s5], $0x4000  }
0x8d: {  	s15 =	sshra.s32 s15, $0x2;
	[sflag:s5] =	ssyncset.done $0x0  }
0x8e: {  	s16 =	sadd.s32 $0x4F80, s15;
	[sflag:s5] =	ssyncadd.s32 $0xFFFFC000  }
0x8f: {  	[tilespmem:s30], [sflag:$0x2] =	stream.indirect.gather [hbm4b:s2+s26], $0x80, s16, s26, $0xb8;
	[tilespmem:$0xD000] =	vst v63  }
0x90: {  	_ =	swait.ge [sflag:s31], $0x4000  }
0x91: {  	[sflag:s31] =	ssyncset.done $0x0  }
.Ltmp5:
0x92: {  	s16 =	sadd.s32 $0x800, s14;
	[sflag:s31] =	ssyncadd.s32 $0xFFFFC000;
	(pc) =	sbr.rel @p2 .LBB2_3-.Ltmp5, $4  }
0x93: {  	[hbm4b:s16+s1] =	stream.linear.scatter [tilespmem:s30], [sflag:$0x4], $0x4000, $0x38;
	[tilespmem:$0xD000] =	vst v63  }
0x94: {  	_ =	swait.ge [sflag:s0], $0x4000  }
0x95: {  	[sflag:s0] =	ssyncset.done $0x0  }
0x96: {  	s15 =	sadd.s32 $0x5000, s15;
	s14 =	sadd.s32 $0x1000, s14;
	[sflag:s0] =	ssyncadd.s32 $0xFFFFC000  }
0x97: {  	[tilespmem:s28], [sflag:$0x1] =	stream.indirect.gather [hbm4b:s2+s26], $0x80, s15, s26, $0xb8;
	[tilespmem:$0xD000] =	vst v63  }
0x98: {  	_ =	swait.ge [sflag:s29], $0x4000  }
0x99: {  	[sflag:s29] =	ssyncset.done $0x0  }
0x9a: {  	[sflag:s29] =	ssyncadd.s32 $0xFFFFC000  }
0x9b: {  	[hbm4b:s19+s1] =	stream.linear.scatter [tilespmem:s28], [sflag:$0x3], $0x4000, $0x38;
	[tilespmem:$0xD000] =	vst v63  }
0x9c: {  	_ =	swait.ge [sflag:s5], $0x4000  }
0x9d: {  	[sflag:s5] =	ssyncset.done $0x0  }
0x9e: {  	[sflag:s5] =	ssyncadd.s32 $0xFFFFC000  }
0x9f: {  	[tilespmem:s30], [sflag:$0x2] =	stream.indirect.gather [hbm4b:s2+s26], $0x80, s10, s26, $0xb8;
	[tilespmem:$0xD000] =	vst v63  }
0xa0: {  	_ =	swait.ge [sflag:s31], $0x4000  }
0xa1: {  	[sflag:s31] =	ssyncset.done $0x0  }
.Ltmp6:
0xa2: {  	[sflag:s31] =	ssyncadd.s32 $0xFFFFC000;
	(pc) =	sbr.rel @p1 .LBB2_10-.Ltmp6, $4  }
0xa3: {  	[hbm4b:s20+s1] =	stream.linear.scatter [tilespmem:s30], [sflag:$0x4], $0x4000, $0x38;
	[tilespmem:$0xD000] =	vst v63  }
0xa4: {  	_ =	swait.ge [sflag:s5], $0x4000  }
0xa5: {  	[sflag:s5] =	ssyncset.done $0x0  }
0xa6: {  	[sflag:s5] =	ssyncadd.s32 $0xFFFFC000  }
0xa7: {  	s13 =	rddreg [dreg:$0x3]  }
0xa8: {  	[tilespmem:s1], [sflag:$0x5] =	stream.linear.gather [hbm4b:s13+s1], $0x400, $0x38;
	[tilespmem:$0xD000] =	vst v63  }
0xa9: {  	_ =	swait.ge [sflag:s25], $0x400  }
0xaa: {  	[sflag:s25] =	ssyncset.done $0x0  }
0xab: {  	[sflag:s25] =	ssyncadd.s32 $0xFFFFFC00  }
0xac: {  	[tilespmem:s28], [sflag:$0x1] =	stream.indirect.gather [hbm4b:s2+s26], $0x80, s1, s26, $0xb8;
	[tilespmem:$0xD000] =	vst v63  }
0xad: {  	_ =	swait.ge [sflag:s29], $0x4000  }
0xae: {  	[sflag:s29] =	ssyncset.done $0x0  }
0xaf: {  	s16 =	rddreg [dreg:$0x4];
	[sflag:s29] =	ssyncadd.s32 $0xFFFFC000  }
0xb0: {  	[hbm4b:s16+s1] =	stream.linear.scatter [tilespmem:s28], [sflag:$0x3], $0x4000, $0x38;
	[tilespmem:$0xD000] =	vst v63  }
0xb1: {  	_ = 	snop  }
0xb2: {  	[tilespmem:s30], [sflag:$0x2] =	stream.indirect.gather [hbm4b:s2+s26], $0x80, s26, s26, $0xb8;
	[tilespmem:$0xD000] =	vst v63  }
0xb3: {  	_ =	swait.ge [sflag:s31], $0x4000  }
0xb4: {  	[sflag:s31] =	ssyncset.done $0x0  }
0xb5: {  	s14 =	rddreg [dreg:$0x5];
	[sflag:s31] =	ssyncadd.s32 $0xFFFFC000  }
0xb6: {  	[hbm4b:s14+s1] =	stream.linear.scatter [tilespmem:s30], [sflag:$0x4], $0x4000, $0x38;
	[tilespmem:$0xD000] =	vst v63  }
0xb7: {  	_ =	swait.ge [sflag:s0], $0x4000  }
0xb8: {  	[sflag:s0] =	ssyncset.done $0x0  }
0xb9: {  	[sflag:s0] =	ssyncadd.s32 $0xFFFFC000  }
0xba: {  	[tilespmem:s28], [sflag:$0x1] =	stream.indirect.gather [hbm4b:s2+s26], $0x80, s4, s26, $0xb8;
	[tilespmem:$0xD000] =	vst v63  }
0xbb: {  	_ =	swait.ge [sflag:s29], $0x4000  }
0xbc: {  	[sflag:s29] =	ssyncset.done $0x0  }
0xbd: {  	s15 =	rddreg [dreg:$0x6];
	[sflag:s29] =	ssyncadd.s32 $0xFFFFC000  }
0xbe: {  	[hbm4b:s15+s1] =	stream.linear.scatter [tilespmem:s28], [sflag:$0x3], $0x4000, $0x38;
	[tilespmem:$0xD000] =	vst v63  }
0xbf: {  	_ =	swait.ge [sflag:s5], $0x4000  }
0xc0: {  	[sflag:s5] =	ssyncset.done $0x0  }
0xc1: {  	s16 =	simm.s32 $0x180;
	[sflag:s5] =	ssyncadd.s32 $0xFFFFC000  }
0xc2: {  	[tilespmem:s30], [sflag:$0x2] =	stream.indirect.gather [hbm4b:s2+s26], $0x80, s16, s26, $0xb8;
	[tilespmem:$0xD000] =	vst v63  }
0xc3: {  	_ =	swait.ge [sflag:s31], $0x4000  }
0xc4: {  	[sflag:s31] =	ssyncset.done $0x0  }
0xc5: {  	s14 =	rddreg [dreg:$0x7];
	[sflag:s31] =	ssyncadd.s32 $0xFFFFC000  }
0xc6: {  	[hbm4b:s14+s1] =	stream.linear.scatter [tilespmem:s30], [sflag:$0x4], $0x4000, $0x38;
	[tilespmem:$0xD000] =	vst v63  }
0xc7: {  	_ =	swait.ge [sflag:s0], $0x4000  }
0xc8: {  	[sflag:s0] =	ssyncset.done $0x0  }
0xc9: {  	s15 =	simm.s32 $0x200;
	[sflag:s0] =	ssyncadd.s32 $0xFFFFC000  }
0xca: {  	[tilespmem:s28], [sflag:$0x1] =	stream.indirect.gather [hbm4b:s2+s26], $0x80, s15, s26, $0xb8;
	[tilespmem:$0xD000] =	vst v63  }
0xcb: {  	_ =	swait.ge [sflag:s29], $0x4000  }
0xcc: {  	[sflag:s29] =	ssyncset.done $0x0  }
0xcd: {  	s16 =	rddreg [dreg:$0x8];
	[sflag:s29] =	ssyncadd.s32 $0xFFFFC000  }
0xce: {  	[hbm4b:s16+s1] =	stream.linear.scatter [tilespmem:s28], [sflag:$0x3], $0x4000, $0x38;
	[tilespmem:$0xD000] =	vst v63  }
0xcf: {  	_ =	swait.ge [sflag:s5], $0x4000  }
0xd0: {  	[sflag:s5] =	ssyncset.done $0x0  }
0xd1: {  	s14 =	simm.s32 $0x280;
	[sflag:s5] =	ssyncadd.s32 $0xFFFFC000  }
0xd2: {  	[tilespmem:s30], [sflag:$0x2] =	stream.indirect.gather [hbm4b:s2+s26], $0x80, s14, s26, $0xb8;
	[tilespmem:$0xD000] =	vst v63  }
0xd3: {  	_ =	swait.ge [sflag:s31], $0x4000  }
0xd4: {  	[sflag:s31] =	ssyncset.done $0x0  }
0xd5: {  	s15 =	rddreg [dreg:$0x9];
	[sflag:s31] =	ssyncadd.s32 $0xFFFFC000  }
0xd6: {  	[hbm4b:s15+s1] =	stream.linear.scatter [tilespmem:s30], [sflag:$0x4], $0x4000, $0x38;
	[tilespmem:$0xD000] =	vst v63  }
0xd7: {  	_ =	swait.ge [sflag:s0], $0x4000  }
0xd8: {  	[sflag:s0] =	ssyncset.done $0x0  }
0xd9: {  	s16 =	simm.s32 $0x300;
	[sflag:s0] =	ssyncadd.s32 $0xFFFFC000  }
0xda: {  	[tilespmem:s28], [sflag:$0x1] =	stream.indirect.gather [hbm4b:s2+s26], $0x80, s16, s26, $0xb8;
	[tilespmem:$0xD000] =	vst v63  }
0xdb: {  	_ =	swait.ge [sflag:s29], $0x4000  }
0xdc: {  	[sflag:s29] =	ssyncset.done $0x0  }
0xdd: {  	s14 =	rddreg [dreg:$0xa];
	[sflag:s29] =	ssyncadd.s32 $0xFFFFC000  }
0xde: {  	[hbm4b:s14+s1] =	stream.linear.scatter [tilespmem:s28], [sflag:$0x3], $0x4000, $0x38;
	[tilespmem:$0xD000] =	vst v63  }
0xdf: {  	_ =	swait.ge [sflag:s5], $0x4000  }
0xe0: {  	[sflag:s5] =	ssyncset.done $0x0  }
0xe1: {  	s15 =	simm.s32 $0x380;
	[sflag:s5] =	ssyncadd.s32 $0xFFFFC000  }
0xe2: {  	[tilespmem:s30], [sflag:$0x2] =	stream.indirect.gather [hbm4b:s2+s26], $0x80, s15, s26, $0xb8;
	[tilespmem:$0xD000] =	vst v63  }
.Ltmp7:
0xe3: {  	_ = 	snop;
	(pc) =	sbr.rel .LBB2_9-.Ltmp7, $4  }
0xe4: {  	_ =	swait.ge [sflag:s31], $0x4000  }
0xe5: {  	[sflag:s31] =	ssyncset.done $0x0  }
0xe6: {  	s16 =	rddreg [dreg:$0xb];
	[sflag:s31] =	ssyncadd.s32 $0xFFFFC000  }
0xe7: {  	[hbm4b:s16+s1] =	stream.linear.scatter [tilespmem:s30], [sflag:$0x4], $0x4000, $0x38;
	[tilespmem:$0xD000] =	vst v63  }
.LBB2_11:
0xe8: {  	_ =	sfence.sel $0x180000  }
0xe9: {  	[bflag:$0x0] =	sbarrier.arrive $0xFFFF  }
0xea: {  	_ =	strace $0x90000047  }
0xeb: {  	[bflag:$0x2] =	sbarrier.arrive $0xFFFF  }
0xec: {  	s0 =	rddreg [dreg:$0x2]  }
0xed: {  	s0 =	sadd.s32 @!p1 $0x100000, s0  }
0xee: {  	[sflag:s0] =	ssyncadd.tile.s32 @!p1 $0x1;
	_ =	shalt  }
.Lfunc_end2:
_tile_overlayer_lowered:
.L_overlay_start_2:
0xef: {  	(tag) =	ssettag $0x2  }
0xf0: {  	s0 =	rddreg [dreg:$0x0];
	s2 =	stileid.u32  }
0xf1: {  	s1 =	rddreg [dreg:$0x1];
	p0 =	sne.s32 s2, $0x0  }
0xf2: {  	s3 =	rddreg [dreg:$0x2];
	[bflag:$0x3] =	sbarrier.arrive $0xFFFF;
	s2 =	simm.s32 @!p0 $0x1C05  }
0xf3: {  	[timem:s3], [sflag:s2] =	dma.local @!p0 [hbm:s0], s1  }
0xf4: {  	s0 =	simm.s32 @!p0 $0x5  }
0xf5: {  	_ =	swait.ge @!p0 [sflag:s0], s1  }
0xf6: {  	s1 =	ssub.s32 @!p0 $0x0, s1;
	[sflag:s0] =	ssyncset.done @!p0 $0x0  }
0xf7: {  	[sflag:s0] =	ssyncadd.s32 @!p0 s1  }
0xf8: {  	[bflag:$0x3] =	sbarrier.arrive $0xFFFF  }
0xf9: {  	_ =	shalt  }

</sc_bundles>
